<compile_context>
chip_gen: v7x
topology: tpu7x:2x2x1
jax: 0.10.2.dev20260603
libtpu: 0.0.44.dev20260713+nightly
codegen_flags: <defaults>
</compile_context>

<pallas_src>
import jax
import jax.numpy as jnp
from jax import lax
from jax.experimental import pallas as pl
from jax.experimental.pallas import tpu as pltpu
from jax.experimental.pallas import tpu_sc as plsc

N = 10000
NP = 10240
E = 320000
D = 128
TE = 2 * E

NC, NS = 2, 16
NW = NC * NS
EP = E // NW
RP = NP // NS
CH = 80
TP = TE // NW
CC = 2000

_mesh = plsc.VectorSubcoreMesh(
    core_axis_name="c", subcore_axis_name="s", num_cores=NC, num_subcores=NS
)


DR = NP // D


def _deg_body(col_hbm, z128_hbm, iot_hbm, degp_hbm, deg_sh, dloc, cbuf, iot_v):
    c = lax.axis_index("c")
    s = lax.axis_index("s")
    wid = s * NC + c
    pl.when(s == 0)(lambda: pltpu.sync_copy(z128_hbm.at[pl.ds(0, DR)], deg_sh))
    pltpu.sync_copy(z128_hbm.at[pl.ds(0, DR)], dloc)
    pltpu.sync_copy(col_hbm.at[pl.ds(wid * EP, EP)], cbuf)
    pltpu.sync_copy(iot_hbm, iot_v)
    plsc.subcore_barrier()
    ones = jnp.full((16,), 1.0, jnp.float32)

    def step(i, carry):
        idx = cbuf[pl.ds(i * 16, 16)]
        r = lax.shift_right_logical(idx, 7)
        cc = lax.bitwise_and(idx, 127)
        plsc.addupdate_scatter(dloc, [r, cc], ones)
        return carry

    lax.fori_loop(0, EP // 16, step, 0)
    pltpu.sync_copy(dloc, deg_sh.at[iot_v], add=True)
    plsc.subcore_barrier()
    pl.when(s == 0)(
        lambda: pltpu.sync_copy(deg_sh, degp_hbm.at[pl.ds(c * DR, DR)]))


_deg_kernel = pl.kernel(
    _deg_body,
    out_type=jax.ShapeDtypeStruct((NC * DR, D), jnp.float32),
    mesh=_mesh,
    scratch_types=[
        pltpu.VMEM_SHARED((DR, D), jnp.float32),
        pltpu.VMEM((DR, D), jnp.float32),
        pltpu.VMEM((EP,), jnp.int32),
        pltpu.VMEM((DR,), jnp.int32),
    ],
    compiler_params=pltpu.CompilerParams(needs_layout_passes=False),
)


NCH = EP // CH


def _seg_body(row_hbm, col_hbm, y_hbm, z128_hbm, accp_hbm,
              acc_sh, ridx, cidx, msg0, msg1, sem0, sem1):
    c = lax.axis_index("c")
    s = lax.axis_index("s")
    wid = s * NC + c
    pltpu.sync_copy(z128_hbm.at[pl.ds(s * RP, RP)], acc_sh.at[pl.ds(s * RP, RP)])
    base = wid * EP
    pltpu.sync_copy(row_hbm.at[pl.ds(base, EP)], ridx)
    pltpu.sync_copy(col_hbm.at[pl.ds(base, EP)], cidx)
    plsc.subcore_barrier()
    pltpu.async_copy(y_hbm.at[ridx.at[pl.ds(0, CH)]], msg0, sem0)

    def pair(j, carry):
        i0 = 2 * j
        pltpu.async_copy(y_hbm.at[ridx.at[pl.ds((i0 + 1) * CH, CH)]],
                         msg1, sem1)
        pltpu.make_async_copy(y_hbm.at[ridx.at[pl.ds(i0 * CH, CH)]],
                              msg0, sem0).wait()
        pltpu.sync_copy(msg0, acc_sh.at[cidx.at[pl.ds(i0 * CH, CH)]], add=True)
        def _prefetch():
            pltpu.async_copy(
                y_hbm.at[ridx.at[pl.ds((i0 + 2) * CH, CH)]], msg0, sem0)

        pl.when(i0 + 2 < NCH)(_prefetch)
        pltpu.make_async_copy(y_hbm.at[ridx.at[pl.ds((i0 + 1) * CH, CH)]],
                              msg1, sem1).wait()
        pltpu.sync_copy(msg1, acc_sh.at[cidx.at[pl.ds((i0 + 1) * CH, CH)]],
                        add=True)
        return carry

    lax.fori_loop(0, NCH // 2, pair, 0)
    if NCH % 2 == 1:
        last = (NCH - 1) * CH
        pltpu.make_async_copy(y_hbm.at[ridx.at[pl.ds(last, CH)]],
                              msg0, sem0).wait()
        pltpu.sync_copy(msg0, acc_sh.at[cidx.at[pl.ds(last, CH)]], add=True)
    plsc.subcore_barrier()
    pltpu.sync_copy(acc_sh.at[pl.ds(s * RP, RP)],
                    accp_hbm.at[pl.ds(c * NP + s * RP, RP)])


_seg_kernel = pl.kernel(
    _seg_body,
    out_type=jax.ShapeDtypeStruct((NC * NP, D), jnp.float32),
    mesh=_mesh,
    scratch_types=[
        pltpu.VMEM_SHARED((NP, D), jnp.float32),
        pltpu.VMEM((EP,), jnp.int32),
        pltpu.VMEM((EP,), jnp.int32),
        pltpu.VMEM((CH, D), jnp.float32),
        pltpu.VMEM((CH, D), jnp.float32),
        pltpu.SemaphoreType.DMA,
        pltpu.SemaphoreType.DMA,
    ],
)


def _edge_body(p_hbm, q_hbm, t0_hbm, t1_hbm, out_hbm, pbuf, qbuf, t0b, t1b, ob):
    c = lax.axis_index("c")
    s = lax.axis_index("s")
    wid = s * NC + c
    pltpu.sync_copy(p_hbm, pbuf)
    pltpu.sync_copy(q_hbm, qbuf)
    base = wid * TP
    iota = lax.iota(jnp.int32, 16)

    def chunk(ch, carry):
        e0 = base + ch * CC
        pltpu.sync_copy(t0_hbm.at[pl.ds(e0, CC)], t0b)
        pltpu.sync_copy(t1_hbm.at[pl.ds(e0, CC)], t1b)

        def inner(i, icarry):
            for u in range(5):
                o16 = i * 80 + u * 16
                sv = t0b[pl.ds(o16, 16)]
                dv = t1b[pl.ds(o16, 16)]
                s2 = sv + sv
                d2 = dv + dv
                p0 = plsc.load_gather(pbuf, [s2])
                p1 = plsc.load_gather(pbuf, [s2 + 1])
                q0 = plsc.load_gather(qbuf, [d2])
                q1 = plsc.load_gather(qbuf, [d2 + 1])
                pos = o16 + iota
                plsc.store_scatter(ob, [pos], p0 + q0)
                plsc.store_scatter(ob, [pos + CC], p1 + q1)
            return icarry

        lax.fori_loop(0, CC // 80, inner, 0)
        pltpu.sync_copy(ob.at[pl.ds(0, CC)], out_hbm.at[pl.ds(e0, CC)])
        pltpu.sync_copy(ob.at[pl.ds(CC, CC)], out_hbm.at[pl.ds(TE + e0, CC)])
        return carry

    lax.fori_loop(0, TP // CC, chunk, 0)


_edge_kernel = pl.kernel(
    _edge_body,
    out_type=jax.ShapeDtypeStruct((2 * TE,), jnp.float32),
    mesh=_mesh,
    scratch_types=[
        pltpu.VMEM((2 * NP,), jnp.float32),
        pltpu.VMEM((2 * NP,), jnp.float32),
        pltpu.VMEM((CC,), jnp.int32),
        pltpu.VMEM((CC,), jnp.int32),
        pltpu.VMEM((2 * CC,), jnp.float32),
    ],
    compiler_params=pltpu.CompilerParams(needs_layout_passes=False),
)


RB = 2048


def _mm_body(x_ref, w_ref, xw_ref):
    xw_ref[...] = jnp.dot(x_ref[...], w_ref[...],
                          preferred_element_type=jnp.float32,
                          precision=lax.Precision.HIGHEST)


def _scale_body(xw_ref, dvec_ref, y_ref):
    dis = lax.rsqrt(dvec_ref[...] + 1.0)
    y_ref[...] = xw_ref[...] * dis


def _tc2_body(accp_ref, y_ref, dvec_ref, b_ref, wc_ref, bc_ref, pq_ref):
    dis = lax.rsqrt(dvec_ref[...] + 1.0)
    acc = accp_ref[0] + accp_ref[1] + y_ref[...]
    h = jnp.maximum(dis * acc + b_ref[...], 0.0)
    pq_ref[...] = jnp.dot(h, wc_ref[...],
                          preferred_element_type=jnp.float32,
                          precision=lax.Precision.HIGHEST) + bc_ref[...]


def _tc_mm(x, W):
    return pl.pallas_call(
        _mm_body,
        grid=(NP // RB,),
        in_specs=[
            pl.BlockSpec((RB, D), lambda i: (i, 0)),
            pl.BlockSpec((D, D), lambda i: (0, 0)),
        ],
        out_specs=pl.BlockSpec((RB, D), lambda i: (i, 0)),
        out_shape=jax.ShapeDtypeStruct((NP, D), jnp.float32),
    )(x, W)


def _tc_scale(xw, dvec):
    return pl.pallas_call(
        _scale_body,
        grid=(NP // RB,),
        in_specs=[
            pl.BlockSpec((RB, D), lambda i: (i, 0)),
            pl.BlockSpec((RB, 1), lambda i: (i, 0)),
        ],
        out_specs=pl.BlockSpec((RB, D), lambda i: (i, 0)),
        out_shape=jax.ShapeDtypeStruct((NP, D), jnp.float32),
    )(xw, dvec)


def _tc2(accp3, y, dvec, b2, wc2, bc2):
    return pl.pallas_call(
        _tc2_body,
        grid=(NP // RB,),
        in_specs=[
            pl.BlockSpec((NC, RB, D), lambda i: (0, i, 0)),
            pl.BlockSpec((RB, D), lambda i: (i, 0)),
            pl.BlockSpec((RB, 1), lambda i: (i, 0)),
            pl.BlockSpec((1, D), lambda i: (0, 0)),
            pl.BlockSpec((D, 4), lambda i: (0, 0)),
            pl.BlockSpec((1, 4), lambda i: (0, 0)),
        ],
        out_specs=pl.BlockSpec((RB, 4), lambda i: (i, 0)),
        out_shape=jax.ShapeDtypeStruct((NP, 4), jnp.float32),
    )(accp3, y, dvec, b2, wc2, bc2)


def _neg_pairs(num_neg, n):
    k = jax.random.key(12345)
    k1, k2 = jax.random.split(k)
    src = jax.random.randint(k1, (num_neg,), 0, n, dtype=jnp.int32)
    dst = jax.random.randint(k2, (num_neg,), 0, n, dtype=jnp.int32)
    return src, dst


def kernel(x, edge_index, W, b, Wc, bc):
    row = edge_index[0]
    col = edge_index[1]
    nsrc, ndst = _neg_pairs(E, N)
    t0 = jnp.concatenate([row, nsrc])
    t1 = jnp.concatenate([col, ndst])

    z128 = jnp.zeros((NP, D), jnp.float32)
    iot = jnp.arange(DR, dtype=jnp.int32)
    xp = jnp.pad(x, ((0, NP - N), (0, 0)))

    xw = _tc_mm(xp, W)
    degp = _deg_kernel(col, z128, iot)
    dvec = (degp[:DR] + degp[DR:]).reshape(NP, 1)
    y = _tc_scale(xw, dvec)

    accp = _seg_kernel(row, col, y, z128)
    accp3 = accp.reshape(NC, NP, D)

    wc2 = jnp.concatenate([Wc[:D], Wc[D:]], axis=1)
    bc2 = jnp.concatenate([bc, jnp.zeros((2,), jnp.float32)]).reshape(1, 4)
    pq = _tc2(accp3, y, dvec, b.reshape(1, D), wc2, bc2)

    p_flat = pq[:, :2].reshape(-1)
    q_flat = pq[:, 2:].reshape(-1)

    out_flat = _edge_kernel(p_flat, q_flat, t0, t1)
    return out_flat.reshape(2, TE).T

# --- scband reference (transcript-rebuilt; emitter-appended) ---
"""Pipeline reference for scband-edge-classifier-61108794688063 (READ-ONLY COPY).

The authoritative reference and input builder live on the scoring server;
editing this copy changes nothing except your own understanding.
"""

import jax, jax.numpy as jnp
import numpy as np

N = 10000
E = 320000
D_IN = 128
D_OUT = 128


def setup_inputs(seed: int = 0):
    key = jax.random.key(seed)
    ks = jax.random.split(key, 6)
    x = jax.random.normal(ks[0], (N, D_IN), dtype=jnp.float32)
    edge_index = jax.random.randint(ks[1], (2, E), 0, N, dtype=jnp.int32)
    W = jax.random.normal(ks[2], (D_IN, D_OUT), dtype=jnp.float32) / np.sqrt(D_IN)
    b = jnp.zeros((D_OUT,), jnp.float32)
    Wc = jax.random.normal(ks[3], (2 * D_OUT, 2), dtype=jnp.float32) / np.sqrt(2 * D_OUT)
    bc = jnp.zeros((2,), jnp.float32)
    return {"x": x, "edge_index": edge_index, "W": W, "b": b, "Wc": Wc, "bc": bc}


def _gcn_conv(x, edge_index, W, b):
    # GCNConv with self-loops and symmetric normalization:
    # out = D^{-1/2} (A + I) D^{-1/2} X W + b
    n = x.shape[0]
    loops = jnp.arange(n, dtype=edge_index.dtype)
    row = jnp.concatenate([edge_index[0], loops])
    col = jnp.concatenate([edge_index[1], loops])
    deg = jnp.zeros((n,), jnp.float32).at[col].add(1.0)
    deg_inv_sqrt = jnp.where(deg > 0, jax.lax.rsqrt(jnp.maximum(deg, 1e-12)), 0.0)
    norm = deg_inv_sqrt[row] * deg_inv_sqrt[col]
    xw = x @ W
    msg = norm[:, None] * xw[row]
    out = jnp.zeros((n, W.shape[1]), jnp.float32).at[col].add(msg)
    return out + b


def _negative_sampling(num_neg, n, seed=12345):
    # Simplified PyG negative_sampling: uniform random (src, dst) pairs.
    k = jax.random.key(seed)
    k1, k2 = jax.random.split(k)
    src = jax.random.randint(k1, (num_neg,), 0, n, dtype=jnp.int32)
    dst = jax.random.randint(k2, (num_neg,), 0, n, dtype=jnp.int32)
    return jnp.stack([src, dst])


def reference(x, edge_index, W, b, Wc, bc):
    h = jax.nn.relu(_gcn_conv(x, edge_index, W, b))
    pos = edge_index
    neg = _negative_sampling(pos.shape[1], x.shape[0])
    total = jnp.concatenate([pos, neg], axis=1)
    edge_features = jnp.concatenate([h[total[0]], h[total[1]]], axis=1)
    return edge_features @ Wc + bc

if __name__ == "__main__":
    import jax
    _d = setup_inputs()
    print(jax.jit(kernel)(*tuple(_d.values())))

</pallas_src>

<mosaic_0001>
#map = affine_map<(d0, d1) -> (0)>
module attributes {stable_mosaic.version = 14 : i64} {
  func.func @_edge_body(%arg0: i32, %arg1: i32, %arg2: memref<20480xf32, #tpu.memory_space<hbm>>, %arg3: memref<20480xf32, #tpu.memory_space<hbm>>, %arg4: memref<640000xi32, #tpu.memory_space<hbm>>, %arg5: memref<640000xi32, #tpu.memory_space<hbm>>, %arg6: memref<1280000xf32, #tpu.memory_space<hbm>>, %arg7: memref<20480xf32, #tpu.memory_space<vmem>>, %arg8: memref<20480xf32, #tpu.memory_space<vmem>>, %arg9: memref<2000xi32, #tpu.memory_space<vmem>>, %arg10: memref<2000xi32, #tpu.memory_space<vmem>>, %arg11: memref<4000xf32, #tpu.memory_space<vmem>>) attributes {dimension_semantics = [#tpu.dimension_semantics<core_parallel>, #tpu.dimension_semantics<subcore_parallel>], iteration_bounds = array<i64: 2, 16>, scalar_prefetch = 0 : i64, scratch_operands = 5 : i64, tpu.core_type = #tpu.core_type<sc_vector_subcore>, window_params = [{transform_indices = #map}, {transform_indices = #map}, {transform_indices = #map}, {transform_indices = #map}, {transform_indices = #map}]} {
    %mul3A = arith.constant 2 : i32
    %mul3A_0 = arith.muli %arg1, %mul3A : i32
    %add3A = arith.addi %mul3A_0, %arg0 : i32
    "tpu.region"() ({
      %run_scoped3A = tpu.sem_alloc : memref<!tpu.dma_semaphore, #tpu.memory_space<semaphore_mem>>
      tpu.enqueue_dma source(%arg2 : memref<20480xf32, #tpu.memory_space<hbm>>) target(%arg7 : memref<20480xf32, #tpu.memory_space<vmem>>) target_semaphore(%run_scoped3A : memref<!tpu.dma_semaphore, #tpu.memory_space<semaphore_mem>>)
      tpu.wait_dma2 semaphore(%run_scoped3A : memref<!tpu.dma_semaphore, #tpu.memory_space<semaphore_mem>>) src(%arg2 : memref<20480xf32, #tpu.memory_space<hbm>>) dst(%arg7 : memref<20480xf32, #tpu.memory_space<vmem>>)
      tpu.yield
    }) : () -> ()
    "tpu.region"() ({
      %run_scoped3A = tpu.sem_alloc : memref<!tpu.dma_semaphore, #tpu.memory_space<semaphore_mem>>
      tpu.enqueue_dma source(%arg3 : memref<20480xf32, #tpu.memory_space<hbm>>) target(%arg8 : memref<20480xf32, #tpu.memory_space<vmem>>) target_semaphore(%run_scoped3A : memref<!tpu.dma_semaphore, #tpu.memory_space<semaphore_mem>>)
      tpu.wait_dma2 semaphore(%run_scoped3A : memref<!tpu.dma_semaphore, #tpu.memory_space<semaphore_mem>>) src(%arg3 : memref<20480xf32, #tpu.memory_space<hbm>>) dst(%arg8 : memref<20480xf32, #tpu.memory_space<vmem>>)
      tpu.yield
    }) : () -> ()
    %mul3A_1 = arith.constant 20000 : i32
    %mul3A_2 = arith.muli %add3A, %mul3A_1 : i32
    %iota3A = tpu.iota {dimensions = array<i32: 0>} : vector<16xi32>
    %scan3A = arith.constant 0 : i32
    %scan3A_3 = arith.constant 0 : i32
    %scan3A_4 = arith.constant 10 : i32
    %scan3A_5 = arith.addi %scan3A_3, %scan3A_4 : i32
    %scan3A_6 = arith.constant 1 : i32
    scf.for %scan3A_8 = %scan3A_3 to %scan3A_5 step %scan3A_6  : i32 {
      %mul3A_9 = arith.constant 2000 : i32
      %mul3A_10 = arith.muli %scan3A_8, %mul3A_9 : i32
      %add3A_11 = arith.addi %mul3A_2, %mul3A_10 : i32
      "tpu.region"() ({
        %run_scoped3A = tpu.sem_alloc : memref<!tpu.dma_semaphore, #tpu.memory_space<semaphore_mem>>
        %dma_start3A = tpu.memref_slice %arg4[%add3A_11] : memref<640000xi32, #tpu.memory_space<hbm>> -> memref<2000xi32, #tpu.memory_space<hbm>>
        %dma_start3A_20 = tpu.memref_slice %arg4[%add3A_11] : memref<640000xi32, #tpu.memory_space<hbm>> -> memref<2000xi32, #tpu.memory_space<hbm>>
        tpu.enqueue_dma source(%dma_start3A_20 : memref<2000xi32, #tpu.memory_space<hbm>>) target(%arg9 : memref<2000xi32, #tpu.memory_space<vmem>>) target_semaphore(%run_scoped3A : memref<!tpu.dma_semaphore, #tpu.memory_space<semaphore_mem>>)
        %dma_wait3A = tpu.memref_slice %arg4[%add3A_11] : memref<640000xi32, #tpu.memory_space<hbm>> -> memref<2000xi32, #tpu.memory_space<hbm>>
        %dma_wait3A_21 = tpu.memref_slice %arg4[%add3A_11] : memref<640000xi32, #tpu.memory_space<hbm>> -> memref<2000xi32, #tpu.memory_space<hbm>>
        tpu.wait_dma2 semaphore(%run_scoped3A : memref<!tpu.dma_semaphore, #tpu.memory_space<semaphore_mem>>) src(%dma_wait3A_21 : memref<2000xi32, #tpu.memory_space<hbm>>) dst(%arg9 : memref<2000xi32, #tpu.memory_space<vmem>>)
        tpu.yield
      }) : () -> ()
      "tpu.region"() ({
        %run_scoped3A = tpu.sem_alloc : memref<!tpu.dma_semaphore, #tpu.memory_space<semaphore_mem>>
        %dma_start3A = tpu.memref_slice %arg5[%add3A_11] : memref<640000xi32, #tpu.memory_space<hbm>> -> memref<2000xi32, #tpu.memory_space<hbm>>
        %dma_start3A_20 = tpu.memref_slice %arg5[%add3A_11] : memref<640000xi32, #tpu.memory_space<hbm>> -> memref<2000xi32, #tpu.memory_space<hbm>>
        tpu.enqueue_dma source(%dma_start3A_20 : memref<2000xi32, #tpu.memory_space<hbm>>) target(%arg10 : memref<2000xi32, #tpu.memory_space<vmem>>) target_semaphore(%run_scoped3A : memref<!tpu.dma_semaphore, #tpu.memory_space<semaphore_mem>>)
        %dma_wait3A = tpu.memref_slice %arg5[%add3A_11] : memref<640000xi32, #tpu.memory_space<hbm>> -> memref<2000xi32, #tpu.memory_space<hbm>>
        %dma_wait3A_21 = tpu.memref_slice %arg5[%add3A_11] : memref<640000xi32, #tpu.memory_space<hbm>> -> memref<2000xi32, #tpu.memory_space<hbm>>
        tpu.wait_dma2 semaphore(%run_scoped3A : memref<!tpu.dma_semaphore, #tpu.memory_space<semaphore_mem>>) src(%dma_wait3A_21 : memref<2000xi32, #tpu.memory_space<hbm>>) dst(%arg10 : memref<2000xi32, #tpu.memory_space<vmem>>)
        tpu.yield
      }) : () -> ()
      %scan3A_12 = arith.constant 0 : i32
      %scan3A_13 = arith.constant 0 : i32
      %scan3A_14 = arith.constant 25 : i32
      %scan3A_15 = arith.addi %scan3A_13, %scan3A_14 : i32
      %scan3A_16 = arith.constant 1 : i32
      scf.for %scan3A_20 = %scan3A_13 to %scan3A_15 step %scan3A_16  : i32 {
        %mul3A_21 = arith.constant 80 : i32
        %mul3A_22 = arith.muli %scan3A_20, %mul3A_21 : i32
        %add3A_23 = arith.constant 0 : i32
        %add3A_24 = arith.addi %mul3A_22, %add3A_23 : i32
        %get3A = arith.index_cast %add3A_24 : i32 to index
        %get3A_25 = tpu.vector_load %arg9[%get3A] {strides = array<i32>} : memref<2000xi32, #tpu.memory_space<vmem>>, vector<16xi32>,
        %get3A_26 = arith.index_cast %add3A_24 : i32 to index
        %get3A_27 = tpu.vector_load %arg10[%get3A_26] {strides = array<i32>} : memref<2000xi32, #tpu.memory_space<vmem>>, vector<16xi32>,
        %add3A_28 = arith.addi %get3A_25, %get3A_25 : vector<16xi32>
        %add3A_29 = arith.addi %get3A_27, %get3A_27 : vector<16xi32>
        %gather3A = tpu.vector_load_idx %arg7[%add3A_28] : memref<20480xf32, #tpu.memory_space<vmem>>[vector<16xi32>], vector<16xf32>,
        %add3A_30 = arith.constant 1 : i32
        %add3A_31 = vector.broadcast %add3A_30 : i32 to vector<16xi32>
        %add3A_32 = arith.addi %add3A_28, %add3A_31 : vector<16xi32>
        %gather3A_33 = tpu.vector_load_idx %arg7[%add3A_32] : memref<20480xf32, #tpu.memory_space<vmem>>[vector<16xi32>], vector<16xf32>,
        %gather3A_34 = tpu.vector_load_idx %arg8[%add3A_29] : memref<20480xf32, #tpu.memory_space<vmem>>[vector<16xi32>], vector<16xf32>,
        %add3A_35 = arith.constant 1 : i32
        %add3A_36 = vector.broadcast %add3A_35 : i32 to vector<16xi32>
        %add3A_37 = arith.addi %add3A_29, %add3A_36 : vector<16xi32>
        %gather3A_38 = tpu.vector_load_idx %arg8[%add3A_37] : memref<20480xf32, #tpu.memory_space<vmem>>[vector<16xi32>], vector<16xf32>,
        %add3A_39 = vector.broadcast %add3A_24 : i32 to vector<16xi32>
        %add3A_40 = arith.addi %add3A_39, %iota3A : vector<16xi32>
        %add3A_41 = arith.addf %gather3A, %gather3A_34 : vector<16xf32>
        tpu.vector_store_idx %arg11[%add3A_40], %add3A_41 : memref<4000xf32, #tpu.memory_space<vmem>>[vector<16xi32>], vector<16xf32>,
        %add3A_42 = arith.constant 2000 : i32
        %add3A_43 = vector.broadcast %add3A_42 : i32 to vector<16xi32>
        %add3A_44 = arith.addi %add3A_40, %add3A_43 : vector<16xi32>
        %add3A_45 = arith.addf %gather3A_33, %gather3A_38 : vector<16xf32>
        tpu.vector_store_idx %arg11[%add3A_44], %add3A_45 : memref<4000xf32, #tpu.memory_space<vmem>>[vector<16xi32>], vector<16xf32>,
        %mul3A_46 = arith.constant 80 : i32
        %mul3A_47 = arith.muli %scan3A_20, %mul3A_46 : i32
        %add3A_48 = arith.constant 16 : i32
        %add3A_49 = arith.addi %mul3A_47, %add3A_48 : i32
        %get3A_50 = arith.index_cast %add3A_49 : i32 to index
        %get3A_51 = tpu.vector_load %arg9[%get3A_50] {strides = array<i32>} : memref<2000xi32, #tpu.memory_space<vmem>>, vector<16xi32>,
        %get3A_52 = arith.index_cast %add3A_49 : i32 to index
        %get3A_53 = tpu.vector_load %arg10[%get3A_52] {strides = array<i32>} : memref<2000xi32, #tpu.memory_space<vmem>>, vector<16xi32>,
        %add3A_54 = arith.addi %get3A_51, %get3A_51 : vector<16xi32>
        %add3A_55 = arith.addi %get3A_53, %get3A_53 : vector<16xi32>
        %gather3A_56 = tpu.vector_load_idx %arg7[%add3A_54] : memref<20480xf32, #tpu.memory_space<vmem>>[vector<16xi32>], vector<16xf32>,
        %add3A_57 = arith.constant 1 : i32
        %add3A_58 = vector.broadcast %add3A_57 : i32 to vector<16xi32>
        %add3A_59 = arith.addi %add3A_54, %add3A_58 : vector<16xi32>
        %gather3A_60 = tpu.vector_load_idx %arg7[%add3A_59] : memref<20480xf32, #tpu.memory_space<vmem>>[vector<16xi32>], vector<16xf32>,
        %gather3A_61 = tpu.vector_load_idx %arg8[%add3A_55] : memref<20480xf32, #tpu.memory_space<vmem>>[vector<16xi32>], vector<16xf32>,
        %add3A_62 = arith.constant 1 : i32
        %add3A_63 = vector.broadcast %add3A_62 : i32 to vector<16xi32>
        %add3A_64 = arith.addi %add3A_55, %add3A_63 : vector<16xi32>
        %gather3A_65 = tpu.vector_load_idx %arg8[%add3A_64] : memref<20480xf32, #tpu.memory_space<vmem>>[vector<16xi32>], vector<16xf32>,
        %add3A_66 = vector.broadcast %add3A_49 : i32 to vector<16xi32>
        %add3A_67 = arith.addi %add3A_66, %iota3A : vector<16xi32>
        %add3A_68 = arith.addf %gather3A_56, %gather3A_61 : vector<16xf32>
        tpu.vector_store_idx %arg11[%add3A_67], %add3A_68 : memref<4000xf32, #tpu.memory_space<vmem>>[vector<16xi32>], vector<16xf32>,
        %add3A_69 = arith.constant 2000 : i32
        %add3A_70 = vector.broadcast %add3A_69 : i32 to vector<16xi32>
        %add3A_71 = arith.addi %add3A_67, %add3A_70 : vector<16xi32>
        %add3A_72 = arith.addf %gather3A_60, %gather3A_65 : vector<16xf32>
        tpu.vector_store_idx %arg11[%add3A_71], %add3A_72 : memref<4000xf32, #tpu.memory_space<vmem>>[vector<16xi32>], vector<16xf32>,
        %mul3A_73 = arith.constant 80 : i32
        %mul3A_74 = arith.muli %scan3A_20, %mul3A_73 : i32
        %add3A_75 = arith.constant 32 : i32
        %add3A_76 = arith.addi %mul3A_74, %add3A_75 : i32
        %get3A_77 = arith.index_cast %add3A_76 : i32 to index
        %get3A_78 = tpu.vector_load %arg9[%get3A_77] {strides = array<i32>} : memref<2000xi32, #tpu.memory_space<vmem>>, vector<16xi32>,
        %get3A_79 = arith.index_cast %add3A_76 : i32 to index
        %get3A_80 = tpu.vector_load %arg10[%get3A_79] {strides = array<i32>} : memref<2000xi32, #tpu.memory_space<vmem>>, vector<16xi32>,
        %add3A_81 = arith.addi %get3A_78, %get3A_78 : vector<16xi32>
        %add3A_82 = arith.addi %get3A_80, %get3A_80 : vector<16xi32>
        %gather3A_83 = tpu.vector_load_idx %arg7[%add3A_81] : memref<20480xf32, #tpu.memory_space<vmem>>[vector<16xi32>], vector<16xf32>,
        %add3A_84 = arith.constant 1 : i32
        %add3A_85 = vector.broadcast %add3A_84 : i32 to vector<16xi32>
        %add3A_86 = arith.addi %add3A_81, %add3A_85 : vector<16xi32>
        %gather3A_87 = tpu.vector_load_idx %arg7[%add3A_86] : memref<20480xf32, #tpu.memory_space<vmem>>[vector<16xi32>], vector<16xf32>,
        %gather3A_88 = tpu.vector_load_idx %arg8[%add3A_82] : memref<20480xf32, #tpu.memory_space<vmem>>[vector<16xi32>], vector<16xf32>,
        %add3A_89 = arith.constant 1 : i32
        %add3A_90 = vector.broadcast %add3A_89 : i32 to vector<16xi32>
        %add3A_91 = arith.addi %add3A_82, %add3A_90 : vector<16xi32>
        %gather3A_92 = tpu.vector_load_idx %arg8[%add3A_91] : memref<20480xf32, #tpu.memory_space<vmem>>[vector<16xi32>], vector<16xf32>,
        %add3A_93 = vector.broadcast %add3A_76 : i32 to vector<16xi32>
        %add3A_94 = arith.addi %add3A_93, %iota3A : vector<16xi32>
        %add3A_95 = arith.addf %gather3A_83, %gather3A_88 : vector<16xf32>
        tpu.vector_store_idx %arg11[%add3A_94], %add3A_95 : memref<4000xf32, #tpu.memory_space<vmem>>[vector<16xi32>], vector<16xf32>,
        %add3A_96 = arith.constant 2000 : i32
        %add3A_97 = vector.broadcast %add3A_96 : i32 to vector<16xi32>
        %add3A_98 = arith.addi %add3A_94, %add3A_97 : vector<16xi32>
        %add3A_99 = arith.addf %gather3A_87, %gather3A_92 : vector<16xf32>
        tpu.vector_store_idx %arg11[%add3A_98], %add3A_99 : memref<4000xf32, #tpu.memory_space<vmem>>[vector<16xi32>], vector<16xf32>,
        %mul3A_100 = arith.constant 80 : i32
        %mul3A_101 = arith.muli %scan3A_20, %mul3A_100 : i32
        %add3A_102 = arith.constant 48 : i32
        %add3A_103 = arith.addi %mul3A_101, %add3A_102 : i32
        %get3A_104 = arith.index_cast %add3A_103 : i32 to index
        %get3A_105 = tpu.vector_load %arg9[%get3A_104] {strides = array<i32>} : memref<2000xi32, #tpu.memory_space<vmem>>, vector<16xi32>,
        %get3A_106 = arith.index_cast %add3A_103 : i32 to index
        %get3A_107 = tpu.vector_load %arg10[%get3A_106] {strides = array<i32>} : memref<2000xi32, #tpu.memory_space<vmem>>, vector<16xi32>,
        %add3A_108 = arith.addi %get3A_105, %get3A_105 : vector<16xi32>
        %add3A_109 = arith.addi %get3A_107, %get3A_107 : vector<16xi32>
        %gather3A_110 = tpu.vector_load_idx %arg7[%add3A_108] : memref<20480xf32, #tpu.memory_space<vmem>>[vector<16xi32>], vector<16xf32>,
        %add3A_111 = arith.constant 1 : i32
        %add3A_112 = vector.broadcast %add3A_111 : i32 to vector<16xi32>
        %add3A_113 = arith.addi %add3A_108, %add3A_112 : vector<16xi32>
        %gather3A_114 = tpu.vector_load_idx %arg7[%add3A_113] : memref<20480xf32, #tpu.memory_space<vmem>>[vector<16xi32>], vector<16xf32>,
        %gather3A_115 = tpu.vector_load_idx %arg8[%add3A_109] : memref<20480xf32, #tpu.memory_space<vmem>>[vector<16xi32>], vector<16xf32>,
        %add3A_116 = arith.constant 1 : i32
        %add3A_117 = vector.broadcast %add3A_116 : i32 to vector<16xi32>
        %add3A_118 = arith.addi %add3A_109, %add3A_117 : vector<16xi32>
        %gather3A_119 = tpu.vector_load_idx %arg8[%add3A_118] : memref<20480xf32, #tpu.memory_space<vmem>>[vector<16xi32>], vector<16xf32>,
        %add3A_120 = vector.broadcast %add3A_103 : i32 to vector<16xi32>
        %add3A_121 = arith.addi %add3A_120, %iota3A : vector<16xi32>
        %add3A_122 = arith.addf %gather3A_110, %gather3A_115 : vector<16xf32>
        tpu.vector_store_idx %arg11[%add3A_121], %add3A_122 : memref<4000xf32, #tpu.memory_space<vmem>>[vector<16xi32>], vector<16xf32>,
        %add3A_123 = arith.constant 2000 : i32
        %add3A_124 = vector.broadcast %add3A_123 : i32 to vector<16xi32>
        %add3A_125 = arith.addi %add3A_121, %add3A_124 : vector<16xi32>
        %add3A_126 = arith.addf %gather3A_114, %gather3A_119 : vector<16xf32>
        tpu.vector_store_idx %arg11[%add3A_125], %add3A_126 : memref<4000xf32, #tpu.memory_space<vmem>>[vector<16xi32>], vector<16xf32>,
        %mul3A_127 = arith.constant 80 : i32
        %mul3A_128 = arith.muli %scan3A_20, %mul3A_127 : i32
        %add3A_129 = arith.constant 64 : i32
        %add3A_130 = arith.addi %mul3A_128, %add3A_129 : i32
        %get3A_131 = arith.index_cast %add3A_130 : i32 to index
        %get3A_132 = tpu.vector_load %arg9[%get3A_131] {strides = array<i32>} : memref<2000xi32, #tpu.memory_space<vmem>>, vector<16xi32>,
        %get3A_133 = arith.index_cast %add3A_130 : i32 to index
        %get3A_134 = tpu.vector_load %arg10[%get3A_133] {strides = array<i32>} : memref<2000xi32, #tpu.memory_space<vmem>>, vector<16xi32>,
        %add3A_135 = arith.addi %get3A_132, %get3A_132 : vector<16xi32>
        %add3A_136 = arith.addi %get3A_134, %get3A_134 : vector<16xi32>
        %gather3A_137 = tpu.vector_load_idx %arg7[%add3A_135] : memref<20480xf32, #tpu.memory_space<vmem>>[vector<16xi32>], vector<16xf32>,
        %add3A_138 = arith.constant 1 : i32
        %add3A_139 = vector.broadcast %add3A_138 : i32 to vector<16xi32>
        %add3A_140 = arith.addi %add3A_135, %add3A_139 : vector<16xi32>
        %gather3A_141 = tpu.vector_load_idx %arg7[%add3A_140] : memref<20480xf32, #tpu.memory_space<vmem>>[vector<16xi32>], vector<16xf32>,
        %gather3A_142 = tpu.vector_load_idx %arg8[%add3A_136] : memref<20480xf32, #tpu.memory_space<vmem>>[vector<16xi32>], vector<16xf32>,
        %add3A_143 = arith.constant 1 : i32
        %add3A_144 = vector.broadcast %add3A_143 : i32 to vector<16xi32>
        %add3A_145 = arith.addi %add3A_136, %add3A_144 : vector<16xi32>
        %gather3A_146 = tpu.vector_load_idx %arg8[%add3A_145] : memref<20480xf32, #tpu.memory_space<vmem>>[vector<16xi32>], vector<16xf32>,
        %add3A_147 = vector.broadcast %add3A_130 : i32 to vector<16xi32>
        %add3A_148 = arith.addi %add3A_147, %iota3A : vector<16xi32>
        %add3A_149 = arith.addf %gather3A_137, %gather3A_142 : vector<16xf32>
        tpu.vector_store_idx %arg11[%add3A_148], %add3A_149 : memref<4000xf32, #tpu.memory_space<vmem>>[vector<16xi32>], vector<16xf32>,
        %add3A_150 = arith.constant 2000 : i32
        %add3A_151 = vector.broadcast %add3A_150 : i32 to vector<16xi32>
        %add3A_152 = arith.addi %add3A_148, %add3A_151 : vector<16xi32>
        %add3A_153 = arith.addf %gather3A_141, %gather3A_146 : vector<16xf32>
        tpu.vector_store_idx %arg11[%add3A_152], %add3A_153 : memref<4000xf32, #tpu.memory_space<vmem>>[vector<16xi32>], vector<16xf32>,
      }
      %scan3A_17 = arith.constant 25 : i32
      "tpu.region"() ({
        %run_scoped3A = tpu.sem_alloc : memref<!tpu.dma_semaphore, #tpu.memory_space<semaphore_mem>>
        %dma_start3A = arith.constant 0 : i32
        %dma_start3A_20 = tpu.memref_slice %arg11[%dma_start3A] : memref<4000xf32, #tpu.memory_space<vmem>> -> memref<2000xf32, #tpu.memory_space<vmem>>
        %dma_start3A_21 = tpu.memref_slice %arg6[%add3A_11] : memref<1280000xf32, #tpu.memory_space<hbm>> -> memref<2000xf32, #tpu.memory_space<hbm>>
        %dma_start3A_22 = tpu.memref_slice %arg6[%add3A_11] : memref<1280000xf32, #tpu.memory_space<hbm>> -> memref<2000xf32, #tpu.memory_space<hbm>>
        %dma_start3A_23 = arith.constant 0 : i32
        %dma_start3A_24 = tpu.memref_slice %arg11[%dma_start3A_23] : memref<4000xf32, #tpu.memory_space<vmem>> -> memref<2000xf32, #tpu.memory_space<vmem>>
        tpu.enqueue_dma source(%dma_start3A_24 : memref<2000xf32, #tpu.memory_space<vmem>>) target(%dma_start3A_22 : memref<2000xf32, #tpu.memory_space<hbm>>) target_semaphore(%run_scoped3A : memref<!tpu.dma_semaphore, #tpu.memory_space<semaphore_mem>>)
        %dma_wait3A = arith.constant 0 : i32
        %dma_wait3A_25 = tpu.memref_slice %arg11[%dma_wait3A] : memref<4000xf32, #tpu.memory_space<vmem>> -> memref<2000xf32, #tpu.memory_space<vmem>>
        %dma_wait3A_26 = tpu.memref_slice %arg6[%add3A_11] : memref<1280000xf32, #tpu.memory_space<hbm>> -> memref<2000xf32, #tpu.memory_space<hbm>>
        %dma_wait3A_27 = tpu.memref_slice %arg6[%add3A_11] : memref<1280000xf32, #tpu.memory_space<hbm>> -> memref<2000xf32, #tpu.memory_space<hbm>>
        %dma_wait3A_28 = arith.constant 0 : i32
        %dma_wait3A_29 = tpu.memref_slice %arg11[%dma_wait3A_28] : memref<4000xf32, #tpu.memory_space<vmem>> -> memref<2000xf32, #tpu.memory_space<vmem>>
        tpu.wait_dma2 semaphore(%run_scoped3A : memref<!tpu.dma_semaphore, #tpu.memory_space<semaphore_mem>>) src(%dma_wait3A_29 : memref<2000xf32, #tpu.memory_space<vmem>>) dst(%dma_wait3A_27 : memref<2000xf32, #tpu.memory_space<hbm>>)
        tpu.yield
      }) : () -> ()
      %add3A_18 = arith.constant 640000 : i32
      %add3A_19 = arith.addi %add3A_18, %add3A_11 : i32
      "tpu.region"() ({
        %run_scoped3A = tpu.sem_alloc : memref<!tpu.dma_semaphore, #tpu.memory_space<semaphore_mem>>
        %dma_start3A = arith.constant 2000 : i32
        %dma_start3A_20 = tpu.memref_slice %arg11[%dma_start3A] : memref<4000xf32, #tpu.memory_space<vmem>> -> memref<2000xf32, #tpu.memory_space<vmem>>
        %dma_start3A_21 = tpu.memref_slice %arg6[%add3A_19] : memref<1280000xf32, #tpu.memory_space<hbm>> -> memref<2000xf32, #tpu.memory_space<hbm>>
        %dma_start3A_22 = tpu.memref_slice %arg6[%add3A_19] : memref<1280000xf32, #tpu.memory_space<hbm>> -> memref<2000xf32, #tpu.memory_space<hbm>>
        %dma_start3A_23 = arith.constant 2000 : i32
        %dma_start3A_24 = tpu.memref_slice %arg11[%dma_start3A_23] : memref<4000xf32, #tpu.memory_space<vmem>> -> memref<2000xf32, #tpu.memory_space<vmem>>
        tpu.enqueue_dma source(%dma_start3A_24 : memref<2000xf32, #tpu.memory_space<vmem>>) target(%dma_start3A_22 : memref<2000xf32, #tpu.memory_space<hbm>>) target_semaphore(%run_scoped3A : memref<!tpu.dma_semaphore, #tpu.memory_space<semaphore_mem>>)
        %dma_wait3A = arith.constant 2000 : i32
        %dma_wait3A_25 = tpu.memref_slice %arg11[%dma_wait3A] : memref<4000xf32, #tpu.memory_space<vmem>> -> memref<2000xf32, #tpu.memory_space<vmem>>
        %dma_wait3A_26 = tpu.memref_slice %arg6[%add3A_19] : memref<1280000xf32, #tpu.memory_space<hbm>> -> memref<2000xf32, #tpu.memory_space<hbm>>
        %dma_wait3A_27 = tpu.memref_slice %arg6[%add3A_19] : memref<1280000xf32, #tpu.memory_space<hbm>> -> memref<2000xf32, #tpu.memory_space<hbm>>
        %dma_wait3A_28 = arith.constant 2000 : i32
        %dma_wait3A_29 = tpu.memref_slice %arg11[%dma_wait3A_28] : memref<4000xf32, #tpu.memory_space<vmem>> -> memref<2000xf32, #tpu.memory_space<vmem>>
        tpu.wait_dma2 semaphore(%run_scoped3A : memref<!tpu.dma_semaphore, #tpu.memory_space<semaphore_mem>>) src(%dma_wait3A_29 : memref<2000xf32, #tpu.memory_space<vmem>>) dst(%dma_wait3A_27 : memref<2000xf32, #tpu.memory_space<hbm>>)
        tpu.yield
      }) : () -> ()
    }
    %scan3A_7 = arith.constant 10 : i32
    return
  }
}

#map = affine_map<(d0, d1) -> (0)>
#map1 = affine_map<(d0, d1) -> (0, 0)>
module attributes {stable_mosaic.version = 14 : i64} {
  func.func @_deg_body(%arg0: i32, %arg1: i32, %arg2: memref<320000xi32, #tpu.memory_space<hbm>>, %arg3: memref<10240x128xf32, #tpu.memory_space<hbm>>, %arg4: memref<80xi32, #tpu.memory_space<hbm>>, %arg5: memref<160x128xf32, #tpu.memory_space<hbm>>, %arg6: memref<80x128xf32, #tpu.memory_space<vmem_shared>>, %arg7: memref<80x128xf32, #tpu.memory_space<vmem>>, %arg8: memref<10000xi32, #tpu.memory_space<vmem>>, %arg9: memref<80xi32, #tpu.memory_space<vmem>>) attributes {dimension_semantics = [#tpu.dimension_semantics<core_parallel>, #tpu.dimension_semantics<subcore_parallel>], iteration_bounds = array<i64: 2, 16>, scalar_prefetch = 0 : i64, scratch_operands = 4 : i64, tpu.core_type = #tpu.core_type<sc_vector_subcore>, window_params = [{transform_indices = #map}, {transform_indices = #map1}, {transform_indices = #map}, {transform_indices = #map1}]} {
    %mul3A = arith.constant 2 : i32
    %mul3A_0 = arith.muli %arg1, %mul3A : i32
    %add3A = arith.addi %mul3A_0, %arg0 : i32
    %eq3A = arith.constant 0 : i32
    %eq3A_1 = arith.cmpi eq, %arg1, %eq3A : i32
    %convert_element_type3A = arith.extui %eq3A_1 : i1 to i32
    %cond3A = arith.constant 0 : i32
    %cond3A_2 = arith.cmpi ne, %convert_element_type3A, %cond3A : i32
    scf.if %cond3A_2 {
      "tpu.region"() ({
        %run_scoped3A = tpu.sem_alloc : memref<!tpu.dma_semaphore, #tpu.memory_space<semaphore_mem>>
        %dma_start3A = arith.constant 0 : i32
        %dma_start3A_17 = arith.constant 0 : i32
        %dma_start3A_18 = tpu.memref_slice %arg3[%dma_start3A, %dma_start3A_17] : memref<10240x128xf32, #tpu.memory_space<hbm>> -> memref<80x128xf32, #tpu.memory_space<hbm>>
        tpu.enqueue_dma source(%dma_start3A_18 : memref<80x128xf32, #tpu.memory_space<hbm>>) target(%arg6 : memref<80x128xf32, #tpu.memory_space<vmem_shared>>) target_semaphore(%run_scoped3A : memref<!tpu.dma_semaphore, #tpu.memory_space<semaphore_mem>>)
        %dma_wait3A = arith.constant 0 : i32
        %dma_wait3A_19 = arith.constant 0 : i32
        %dma_wait3A_20 = tpu.memref_slice %arg3[%dma_wait3A, %dma_wait3A_19] : memref<10240x128xf32, #tpu.memory_space<hbm>> -> memref<80x128xf32, #tpu.memory_space<hbm>>
        tpu.wait_dma2 semaphore(%run_scoped3A : memref<!tpu.dma_semaphore, #tpu.memory_space<semaphore_mem>>) src(%dma_wait3A_20 : memref<80x128xf32, #tpu.memory_space<hbm>>) dst(%arg6 : memref<80x128xf32, #tpu.memory_space<vmem_shared>>)
        tpu.yield
      }) : () -> ()
    } else {
    }
    "tpu.region"() ({
      %run_scoped3A = tpu.sem_alloc : memref<!tpu.dma_semaphore, #tpu.memory_space<semaphore_mem>>
      %dma_start3A = arith.constant 0 : i32
      %dma_start3A_17 = arith.constant 0 : i32
      %dma_start3A_18 = tpu.memref_slice %arg3[%dma_start3A, %dma_start3A_17] : memref<10240x128xf32, #tpu.memory_space<hbm>> -> memref<80x128xf32, #tpu.memory_space<hbm>>
      %dma_start3A_19 = arith.constant 0 : i32
      %dma_start3A_20 = arith.constant 0 : i32
      %dma_start3A_21 = tpu.memref_slice %arg3[%dma_start3A_19, %dma_start3A_20] : memref<10240x128xf32, #tpu.memory_space<hbm>> -> memref<80x128xf32, #tpu.memory_space<hbm>>
      tpu.enqueue_dma source(%dma_start3A_21 : memref<80x128xf32, #tpu.memory_space<hbm>>) target(%arg7 : memref<80x128xf32, #tpu.memory_space<vmem>>) target_semaphore(%run_scoped3A : memref<!tpu.dma_semaphore, #tpu.memory_space<semaphore_mem>>)
      %dma_wait3A = arith.constant 0 : i32
      %dma_wait3A_22 = arith.constant 0 : i32
      %dma_wait3A_23 = tpu.memref_slice %arg3[%dma_wait3A, %dma_wait3A_22] : memref<10240x128xf32, #tpu.memory_space<hbm>> -> memref<80x128xf32, #tpu.memory_space<hbm>>
      %dma_wait3A_24 = arith.constant 0 : i32
      %dma_wait3A_25 = arith.constant 0 : i32
      %dma_wait3A_26 = tpu.memref_slice %arg3[%dma_wait3A_24, %dma_wait3A_25] : memref<10240x128xf32, #tpu.memory_space<hbm>> -> memref<80x128xf32, #tpu.memory_space<hbm>>
      tpu.wait_dma2 semaphore(%run_scoped3A : memref<!tpu.dma_semaphore, #tpu.memory_space<semaphore_mem>>) src(%dma_wait3A_26 : memref<80x128xf32, #tpu.memory_space<hbm>>) dst(%arg7 : memref<80x128xf32, #tpu.memory_space<vmem>>)
      tpu.yield
    }) : () -> ()
    %mul3A_3 = arith.constant 10000 : i32
    %mul3A_4 = arith.muli %add3A, %mul3A_3 : i32
    "tpu.region"() ({
      %run_scoped3A = tpu.sem_alloc : memref<!tpu.dma_semaphore, #tpu.memory_space<semaphore_mem>>
      %dma_start3A = tpu.memref_slice %arg2[%mul3A_4] : memref<320000xi32, #tpu.memory_space<hbm>> -> memref<10000xi32, #tpu.memory_space<hbm>>
      %dma_start3A_17 = tpu.memref_slice %arg2[%mul3A_4] : memref<320000xi32, #tpu.memory_space<hbm>> -> memref<10000xi32, #tpu.memory_space<hbm>>
      tpu.enqueue_dma source(%dma_start3A_17 : memref<10000xi32, #tpu.memory_space<hbm>>) target(%arg8 : memref<10000xi32, #tpu.memory_space<vmem>>) target_semaphore(%run_scoped3A : memref<!tpu.dma_semaphore, #tpu.memory_space<semaphore_mem>>)
      %dma_wait3A = tpu.memref_slice %arg2[%mul3A_4] : memref<320000xi32, #tpu.memory_space<hbm>> -> memref<10000xi32, #tpu.memory_space<hbm>>
      %dma_wait3A_18 = tpu.memref_slice %arg2[%mul3A_4] : memref<320000xi32, #tpu.memory_space<hbm>> -> memref<10000xi32, #tpu.memory_space<hbm>>
      tpu.wait_dma2 semaphore(%run_scoped3A : memref<!tpu.dma_semaphore, #tpu.memory_space<semaphore_mem>>) src(%dma_wait3A_18 : memref<10000xi32, #tpu.memory_space<hbm>>) dst(%arg8 : memref<10000xi32, #tpu.memory_space<vmem>>)
      tpu.yield
    }) : () -> ()
    "tpu.region"() ({
      %run_scoped3A = tpu.sem_alloc : memref<!tpu.dma_semaphore, #tpu.memory_space<semaphore_mem>>
      tpu.enqueue_dma source(%arg4 : memref<80xi32, #tpu.memory_space<hbm>>) target(%arg9 : memref<80xi32, #tpu.memory_space<vmem>>) target_semaphore(%run_scoped3A : memref<!tpu.dma_semaphore, #tpu.memory_space<semaphore_mem>>)
      tpu.wait_dma2 semaphore(%run_scoped3A : memref<!tpu.dma_semaphore, #tpu.memory_space<semaphore_mem>>) src(%arg4 : memref<80xi32, #tpu.memory_space<hbm>>) dst(%arg9 : memref<80xi32, #tpu.memory_space<vmem>>)
      tpu.yield
    }) : () -> ()
    %barrier3A = arith.constant 0 : index
    tpu.barrier barrier_id(%barrier3A)
    %broadcast_in_dim3A = arith.constant 1.000000e+00 : f32
    %broadcast_in_dim3A_5 = vector.broadcast %broadcast_in_dim3A : f32 to vector<16xf32>
    %scan3A = arith.constant 0 : i32
    %scan3A_6 = arith.constant 0 : i32
    %scan3A_7 = arith.constant 625 : i32
    %scan3A_8 = arith.addi %scan3A_6, %scan3A_7 : i32
    %scan3A_9 = arith.constant 1 : i32
    scf.for %scan3A_17 = %scan3A_6 to %scan3A_8 step %scan3A_9  : i32 {
      %mul3A_18 = arith.constant 16 : i32
      %mul3A_19 = arith.muli %scan3A_17, %mul3A_18 : i32
      %get3A = arith.index_cast %mul3A_19 : i32 to index
      %get3A_20 = tpu.vector_load %arg8[%get3A] {strides = array<i32>} : memref<10000xi32, #tpu.memory_space<vmem>>, vector<16xi32>,
      %shift_right_logical3A = arith.constant 7 : i32
      %shift_right_logical3A_21 = vector.broadcast %shift_right_logical3A : i32 to vector<16xi32>
      %shift_right_logical3A_22 = arith.shrui %get3A_20, %shift_right_logical3A_21 : vector<16xi32>
      %and3A = arith.constant 127 : i32
      %and3A_23 = vector.broadcast %and3A : i32 to vector<16xi32>
      %and3A_24 = arith.andi %get3A_20, %and3A_23 : vector<16xi32>
      tpu.vector_store_idx %arg7[%shift_right_logical3A_22, %and3A_24], %broadcast_in_dim3A_5 {add = true} : memref<80x128xf32, #tpu.memory_space<vmem>>[vector<16xi32>, vector<16xi32>], vector<16xf32>,
    }
    %scan3A_10 = arith.constant 625 : i32
    "tpu.region"() ({
      %run_scoped3A = tpu.sem_alloc : memref<!tpu.dma_semaphore, #tpu.memory_space<semaphore_mem>>
      %dma_start3A = arith.constant 0 : i32
      %dma_start3A_17 = arith.constant 0 : i32
      %dma_start3A_18 = tpu.memref_slice %arg6[%dma_start3A, %dma_start3A_17] : memref<80x128xf32, #tpu.memory_space<vmem_shared>> -> memref<80x128xf32, #tpu.memory_space<vmem_shared>>
      tpu.enqueue_indirect_dma source(%arg7 : memref<80x128xf32, #tpu.memory_space<vmem>>) target(%dma_start3A_18 : memref<80x128xf32, #tpu.memory_space<vmem_shared>>) offsets(%arg9 : memref<80xi32, #tpu.memory_space<vmem>>) semaphore(%run_scoped3A : memref<!tpu.dma_semaphore, #tpu.memory_space<semaphore_mem>>) {add = true}
      %dma_wait3A = arith.constant 0 : i32
      %dma_wait3A_19 = arith.constant 0 : i32
      %dma_wait3A_20 = tpu.memref_slice %arg6[%dma_wait3A, %dma_wait3A_19] : memref<80x128xf32, #tpu.memory_space<vmem_shared>> -> memref<80x128xf32, #tpu.memory_space<vmem_shared>>
      tpu.wait_indirect_dma semaphore(%run_scoped3A : memref<!tpu.dma_semaphore, #tpu.memory_space<semaphore_mem>>) src(%arg7 : memref<80x128xf32, #tpu.memory_space<vmem>>) dst(%dma_wait3A_20 : memref<80x128xf32, #tpu.memory_space<vmem_shared>>)
      tpu.yield
    }) : () -> ()
    %barrier3A_11 = arith.constant 0 : index
    tpu.barrier barrier_id(%barrier3A_11)
    %eq3A_12 = arith.constant 0 : i32
    %eq3A_13 = arith.cmpi eq, %arg1, %eq3A_12 : i32
    %convert_element_type3A_14 = arith.extui %eq3A_13 : i1 to i32
    %cond3A_15 = arith.constant 0 : i32
    %cond3A_16 = arith.cmpi ne, %convert_element_type3A_14, %cond3A_15 : i32
    scf.if %cond3A_16 {
      %mul3A_17 = arith.constant 80 : i32
      %mul3A_18 = arith.muli %arg0, %mul3A_17 : i32
      "tpu.region"() ({
        %run_scoped3A = tpu.sem_alloc : memref<!tpu.dma_semaphore, #tpu.memory_space<semaphore_mem>>
        %dma_start3A = arith.constant 0 : i32
        %dma_start3A_19 = tpu.memref_slice %arg5[%mul3A_18, %dma_start3A] : memref<160x128xf32, #tpu.memory_space<hbm>> -> memref<80x128xf32, #tpu.memory_space<hbm>>
        tpu.enqueue_dma source(%arg6 : memref<80x128xf32, #tpu.memory_space<vmem_shared>>) target(%dma_start3A_19 : memref<80x128xf32, #tpu.memory_space<hbm>>) target_semaphore(%run_scoped3A : memref<!tpu.dma_semaphore, #tpu.memory_space<semaphore_mem>>)
        %dma_wait3A = arith.constant 0 : i32
        %dma_wait3A_20 = tpu.memref_slice %arg5[%mul3A_18, %dma_wait3A] : memref<160x128xf32, #tpu.memory_space<hbm>> -> memref<80x128xf32, #tpu.memory_space<hbm>>
        tpu.wait_dma2 semaphore(%run_scoped3A : memref<!tpu.dma_semaphore, #tpu.memory_space<semaphore_mem>>) src(%arg6 : memref<80x128xf32, #tpu.memory_space<vmem_shared>>) dst(%dma_wait3A_20 : memref<80x128xf32, #tpu.memory_space<hbm>>)
        tpu.yield
      }) : () -> ()
    } else {
    }
    return
  }
}

#map = affine_map<(d0, d1) -> (0)>
#map1 = affine_map<(d0, d1) -> (0, 0)>
module attributes {stable_mosaic.version = 14 : i64} {
  func.func @_seg_body(%arg0: i32, %arg1: i32, %arg2: memref<320000xi32, #tpu.memory_space<hbm>>, %arg3: memref<320000xi32, #tpu.memory_space<hbm>>, %arg4: memref<10240x128xf32, #tpu.memory_space<hbm>>, %arg5: memref<10240x128xf32, #tpu.memory_space<hbm>>, %arg6: memref<20480x128xf32, #tpu.memory_space<hbm>>, %arg7: memref<10240x128xf32, #tpu.memory_space<vmem_shared>>, %arg8: memref<10000xi32, #tpu.memory_space<vmem>>, %arg9: memref<10000xi32, #tpu.memory_space<vmem>>, %arg10: memref<80x128xf32, #tpu.memory_space<vmem>>, %arg11: memref<80x128xf32, #tpu.memory_space<vmem>>, %arg12: memref<!tpu.dma_semaphore, #tpu.memory_space<semaphore_mem>>, %arg13: memref<!tpu.dma_semaphore, #tpu.memory_space<semaphore_mem>>) attributes {dimension_semantics = [#tpu.dimension_semantics<core_parallel>, #tpu.dimension_semantics<subcore_parallel>], iteration_bounds = array<i64: 2, 16>, scalar_prefetch = 0 : i64, scratch_operands = 7 : i64, tpu.core_type = #tpu.core_type<sc_vector_subcore>, window_params = [{transform_indices = #map}, {transform_indices = #map}, {transform_indices = #map1}, {transform_indices = #map1}, {transform_indices = #map1}]} {
    %mul3A = arith.constant 2 : i32
    %mul3A_0 = arith.muli %arg1, %mul3A : i32
    %add3A = arith.addi %mul3A_0, %arg0 : i32
    %mul3A_1 = arith.constant 640 : i32
    %mul3A_2 = arith.muli %arg1, %mul3A_1 : i32
    %mul3A_3 = arith.constant 640 : i32
    %mul3A_4 = arith.muli %arg1, %mul3A_3 : i32
    "tpu.region"() ({
      %run_scoped3A = tpu.sem_alloc : memref<!tpu.dma_semaphore, #tpu.memory_space<semaphore_mem>>
      %dma_start3A_28 = arith.constant 0 : i32
      %dma_start3A_29 = tpu.memref_slice %arg7[%mul3A_4, %dma_start3A_28] : memref<10240x128xf32, #tpu.memory_space<vmem_shared>> -> memref<640x128xf32, #tpu.memory_space<vmem_shared>>
      %dma_start3A_30 = arith.constant 0 : i32
      %dma_start3A_31 = tpu.memref_slice %arg5[%mul3A_2, %dma_start3A_30] : memref<10240x128xf32, #tpu.memory_space<hbm>> -> memref<640x128xf32, #tpu.memory_space<hbm>>
      tpu.enqueue_dma source(%dma_start3A_31 : memref<640x128xf32, #tpu.memory_space<hbm>>) target(%dma_start3A_29 : memref<640x128xf32, #tpu.memory_space<vmem_shared>>) target_semaphore(%run_scoped3A : memref<!tpu.dma_semaphore, #tpu.memory_space<semaphore_mem>>)
      %dma_wait3A_32 = arith.constant 0 : i32
      %dma_wait3A_33 = tpu.memref_slice %arg7[%mul3A_4, %dma_wait3A_32] : memref<10240x128xf32, #tpu.memory_space<vmem_shared>> -> memref<640x128xf32, #tpu.memory_space<vmem_shared>>
      %dma_wait3A_34 = arith.constant 0 : i32
      %dma_wait3A_35 = tpu.memref_slice %arg5[%mul3A_2, %dma_wait3A_34] : memref<10240x128xf32, #tpu.memory_space<hbm>> -> memref<640x128xf32, #tpu.memory_space<hbm>>
      tpu.wait_dma2 semaphore(%run_scoped3A : memref<!tpu.dma_semaphore, #tpu.memory_space<semaphore_mem>>) src(%dma_wait3A_35 : memref<640x128xf32, #tpu.memory_space<hbm>>) dst(%dma_wait3A_33 : memref<640x128xf32, #tpu.memory_space<vmem_shared>>)
      tpu.yield
    }) : () -> ()
    %mul3A_5 = arith.constant 10000 : i32
    %mul3A_6 = arith.muli %add3A, %mul3A_5 : i32
    "tpu.region"() ({
      %run_scoped3A = tpu.sem_alloc : memref<!tpu.dma_semaphore, #tpu.memory_space<semaphore_mem>>
      %dma_start3A_28 = tpu.memref_slice %arg2[%mul3A_6] : memref<320000xi32, #tpu.memory_space<hbm>> -> memref<10000xi32, #tpu.memory_space<hbm>>
      %dma_start3A_29 = tpu.memref_slice %arg2[%mul3A_6] : memref<320000xi32, #tpu.memory_space<hbm>> -> memref<10000xi32, #tpu.memory_space<hbm>>
      tpu.enqueue_dma source(%dma_start3A_29 : memref<10000xi32, #tpu.memory_space<hbm>>) target(%arg8 : memref<10000xi32, #tpu.memory_space<vmem>>) target_semaphore(%run_scoped3A : memref<!tpu.dma_semaphore, #tpu.memory_space<semaphore_mem>>)
      %dma_wait3A_30 = tpu.memref_slice %arg2[%mul3A_6] : memref<320000xi32, #tpu.memory_space<hbm>> -> memref<10000xi32, #tpu.memory_space<hbm>>
      %dma_wait3A_31 = tpu.memref_slice %arg2[%mul3A_6] : memref<320000xi32, #tpu.memory_space<hbm>> -> memref<10000xi32, #tpu.memory_space<hbm>>
      tpu.wait_dma2 semaphore(%run_scoped3A : memref<!tpu.dma_semaphore, #tpu.memory_space<semaphore_mem>>) src(%dma_wait3A_31 : memref<10000xi32, #tpu.memory_space<hbm>>) dst(%arg8 : memref<10000xi32, #tpu.memory_space<vmem>>)
      tpu.yield
    }) : () -> ()
    "tpu.region"() ({
      %run_scoped3A = tpu.sem_alloc : memref<!tpu.dma_semaphore, #tpu.memory_space<semaphore_mem>>
      %dma_start3A_28 = tpu.memref_slice %arg3[%mul3A_6] : memref<320000xi32, #tpu.memory_space<hbm>> -> memref<10000xi32, #tpu.memory_space<hbm>>
      %dma_start3A_29 = tpu.memref_slice %arg3[%mul3A_6] : memref<320000xi32, #tpu.memory_space<hbm>> -> memref<10000xi32, #tpu.memory_space<hbm>>
      tpu.enqueue_dma source(%dma_start3A_29 : memref<10000xi32, #tpu.memory_space<hbm>>) target(%arg9 : memref<10000xi32, #tpu.memory_space<vmem>>) target_semaphore(%run_scoped3A : memref<!tpu.dma_semaphore, #tpu.memory_space<semaphore_mem>>)
      %dma_wait3A_30 = tpu.memref_slice %arg3[%mul3A_6] : memref<320000xi32, #tpu.memory_space<hbm>> -> memref<10000xi32, #tpu.memory_space<hbm>>
      %dma_wait3A_31 = tpu.memref_slice %arg3[%mul3A_6] : memref<320000xi32, #tpu.memory_space<hbm>> -> memref<10000xi32, #tpu.memory_space<hbm>>
      tpu.wait_dma2 semaphore(%run_scoped3A : memref<!tpu.dma_semaphore, #tpu.memory_space<semaphore_mem>>) src(%dma_wait3A_31 : memref<10000xi32, #tpu.memory_space<hbm>>) dst(%arg9 : memref<10000xi32, #tpu.memory_space<vmem>>)
      tpu.yield
    }) : () -> ()
    %barrier3A = arith.constant 0 : index
    tpu.barrier barrier_id(%barrier3A)
    %dma_start3A = arith.constant 0 : i32
    %dma_start3A_7 = tpu.memref_slice %arg8[%dma_start3A] : memref<10000xi32, #tpu.memory_space<vmem>> -> memref<80xi32, #tpu.memory_space<vmem>>
    %dma_start3A_8 = arith.constant 0 : i32
    %dma_start3A_9 = arith.constant 0 : i32
    %dma_start3A_10 = tpu.memref_slice %arg4[%dma_start3A_8, %dma_start3A_9] : memref<10240x128xf32, #tpu.memory_space<hbm>> -> memref<10240x128xf32, #tpu.memory_space<hbm>>
    tpu.enqueue_indirect_dma source(%dma_start3A_10 : memref<10240x128xf32, #tpu.memory_space<hbm>>) target(%arg10 : memref<80x128xf32, #tpu.memory_space<vmem>>) offsets(%dma_start3A_7 : memref<80xi32, #tpu.memory_space<vmem>>) semaphore(%arg12 : memref<!tpu.dma_semaphore, #tpu.memory_space<semaphore_mem>>)
    %scan3A = arith.constant 0 : i32
    %scan3A_11 = arith.constant 0 : i32
    %scan3A_12 = arith.constant 62 : i32
    %scan3A_13 = arith.addi %scan3A_11, %scan3A_12 : i32
    %scan3A_14 = arith.constant 1 : i32
    scf.for %scan3A_28 = %scan3A_11 to %scan3A_13 step %scan3A_14  : i32 {
      %mul3A_29 = arith.constant 2 : i32
      %mul3A_30 = arith.muli %mul3A_29, %scan3A_28 : i32
      %add3A_31 = arith.constant 1 : i32
      %add3A_32 = arith.addi %mul3A_30, %add3A_31 : i32
      %mul3A_33 = arith.constant 80 : i32
      %mul3A_34 = arith.muli %add3A_32, %mul3A_33 : i32
      %dma_start3A_35 = tpu.memref_slice %arg8[%mul3A_34] : memref<10000xi32, #tpu.memory_space<vmem>> -> memref<80xi32, #tpu.memory_space<vmem>>
      %dma_start3A_36 = arith.constant 0 : i32
      %dma_start3A_37 = arith.constant 0 : i32
      %dma_start3A_38 = tpu.memref_slice %arg4[%dma_start3A_36, %dma_start3A_37] : memref<10240x128xf32, #tpu.memory_space<hbm>> -> memref<10240x128xf32, #tpu.memory_space<hbm>>
      tpu.enqueue_indirect_dma source(%dma_start3A_38 : memref<10240x128xf32, #tpu.memory_space<hbm>>) target(%arg11 : memref<80x128xf32, #tpu.memory_space<vmem>>) offsets(%dma_start3A_35 : memref<80xi32, #tpu.memory_space<vmem>>) semaphore(%arg13 : memref<!tpu.dma_semaphore, #tpu.memory_space<semaphore_mem>>)
      %mul3A_39 = arith.constant 80 : i32
      %mul3A_40 = arith.muli %mul3A_30, %mul3A_39 : i32
      %dma_wait3A_41 = tpu.memref_slice %arg8[%mul3A_40] : memref<10000xi32, #tpu.memory_space<vmem>> -> memref<80xi32, #tpu.memory_space<vmem>>
      %dma_wait3A_42 = arith.constant 0 : i32
      %dma_wait3A_43 = arith.constant 0 : i32
      %dma_wait3A_44 = tpu.memref_slice %arg4[%dma_wait3A_42, %dma_wait3A_43] : memref<10240x128xf32, #tpu.memory_space<hbm>> -> memref<10240x128xf32, #tpu.memory_space<hbm>>
      tpu.wait_indirect_dma semaphore(%arg12 : memref<!tpu.dma_semaphore, #tpu.memory_space<semaphore_mem>>) src(%dma_wait3A_44 : memref<10240x128xf32, #tpu.memory_space<hbm>>) dst(%arg10 : memref<80x128xf32, #tpu.memory_space<vmem>>)
      %mul3A_45 = arith.constant 80 : i32
      %mul3A_46 = arith.muli %mul3A_30, %mul3A_45 : i32
      "tpu.region"() ({
        %run_scoped3A = tpu.sem_alloc : memref<!tpu.dma_semaphore, #tpu.memory_space<semaphore_mem>>
        %dma_start3A_63 = tpu.memref_slice %arg9[%mul3A_46] : memref<10000xi32, #tpu.memory_space<vmem>> -> memref<80xi32, #tpu.memory_space<vmem>>
        %dma_start3A_64 = arith.constant 0 : i32
        %dma_start3A_65 = arith.constant 0 : i32
        %dma_start3A_66 = tpu.memref_slice %arg7[%dma_start3A_64, %dma_start3A_65] : memref<10240x128xf32, #tpu.memory_space<vmem_shared>> -> memref<10240x128xf32, #tpu.memory_space<vmem_shared>>
        tpu.enqueue_indirect_dma source(%arg10 : memref<80x128xf32, #tpu.memory_space<vmem>>) target(%dma_start3A_66 : memref<10240x128xf32, #tpu.memory_space<vmem_shared>>) offsets(%dma_start3A_63 : memref<80xi32, #tpu.memory_space<vmem>>) semaphore(%run_scoped3A : memref<!tpu.dma_semaphore, #tpu.memory_space<semaphore_mem>>) {add = true}
        %dma_wait3A_67 = tpu.memref_slice %arg9[%mul3A_46] : memref<10000xi32, #tpu.memory_space<vmem>> -> memref<80xi32, #tpu.memory_space<vmem>>
        %dma_wait3A_68 = arith.constant 0 : i32
        %dma_wait3A_69 = arith.constant 0 : i32
        %dma_wait3A_70 = tpu.memref_slice %arg7[%dma_wait3A_68, %dma_wait3A_69] : memref<10240x128xf32, #tpu.memory_space<vmem_shared>> -> memref<10240x128xf32, #tpu.memory_space<vmem_shared>>
        tpu.wait_indirect_dma semaphore(%run_scoped3A : memref<!tpu.dma_semaphore, #tpu.memory_space<semaphore_mem>>) src(%arg10 : memref<80x128xf32, #tpu.memory_space<vmem>>) dst(%dma_wait3A_70 : memref<10240x128xf32, #tpu.memory_space<vmem_shared>>)
        tpu.yield
      }) : () -> ()
      %add3A_47 = arith.constant 2 : i32
      %add3A_48 = arith.addi %mul3A_30, %add3A_47 : i32
      %lt3A = arith.constant 125 : i32
      %lt3A_49 = arith.cmpi slt, %add3A_48, %lt3A : i32
      %convert_element_type3A = arith.extui %lt3A_49 : i1 to i32
      %cond3A = arith.constant 0 : i32
      %cond3A_50 = arith.cmpi ne, %convert_element_type3A, %cond3A : i32
      scf.if %cond3A_50 {
        %add3A_63 = arith.constant 2 : i32
        %add3A_64 = arith.addi %mul3A_30, %add3A_63 : i32
        %mul3A_65 = arith.constant 80 : i32
        %mul3A_66 = arith.muli %add3A_64, %mul3A_65 : i32
        %dma_start3A_67 = tpu.memref_slice %arg8[%mul3A_66] : memref<10000xi32, #tpu.memory_space<vmem>> -> memref<80xi32, #tpu.memory_space<vmem>>
        %dma_start3A_68 = arith.constant 0 : i32
        %dma_start3A_69 = arith.constant 0 : i32
        %dma_start3A_70 = tpu.memref_slice %arg4[%dma_start3A_68, %dma_start3A_69] : memref<10240x128xf32, #tpu.memory_space<hbm>> -> memref<10240x128xf32, #tpu.memory_space<hbm>>
        tpu.enqueue_indirect_dma source(%dma_start3A_70 : memref<10240x128xf32, #tpu.memory_space<hbm>>) target(%arg10 : memref<80x128xf32, #tpu.memory_space<vmem>>) offsets(%dma_start3A_67 : memref<80xi32, #tpu.memory_space<vmem>>) semaphore(%arg12 : memref<!tpu.dma_semaphore, #tpu.memory_space<semaphore_mem>>)
      } else {
      }
      %add3A_51 = arith.constant 1 : i32
      %add3A_52 = arith.addi %mul3A_30, %add3A_51 : i32
      %mul3A_53 = arith.constant 80 : i32
      %mul3A_54 = arith.muli %add3A_52, %mul3A_53 : i32
      %dma_wait3A_55 = tpu.memref_slice %arg8[%mul3A_54] : memref<10000xi32, #tpu.memory_space<vmem>> -> memref<80xi32, #tpu.memory_space<vmem>>
      %dma_wait3A_56 = arith.constant 0 : i32
      %dma_wait3A_57 = arith.constant 0 : i32
      %dma_wait3A_58 = tpu.memref_slice %arg4[%dma_wait3A_56, %dma_wait3A_57] : memref<10240x128xf32, #tpu.memory_space<hbm>> -> memref<10240x128xf32, #tpu.memory_space<hbm>>
      tpu.wait_indirect_dma semaphore(%arg13 : memref<!tpu.dma_semaphore, #tpu.memory_space<semaphore_mem>>) src(%dma_wait3A_58 : memref<10240x128xf32, #tpu.memory_space<hbm>>) dst(%arg11 : memref<80x128xf32, #tpu.memory_space<vmem>>)
      %add3A_59 = arith.constant 1 : i32
      %add3A_60 = arith.addi %mul3A_30, %add3A_59 : i32
      %mul3A_61 = arith.constant 80 : i32
      %mul3A_62 = arith.muli %add3A_60, %mul3A_61 : i32
      "tpu.region"() ({
        %run_scoped3A = tpu.sem_alloc : memref<!tpu.dma_semaphore, #tpu.memory_space<semaphore_mem>>
        %dma_start3A_63 = tpu.memref_slice %arg9[%mul3A_62] : memref<10000xi32, #tpu.memory_space<vmem>> -> memref<80xi32, #tpu.memory_space<vmem>>
        %dma_start3A_64 = arith.constant 0 : i32
        %dma_start3A_65 = arith.constant 0 : i32
        %dma_start3A_66 = tpu.memref_slice %arg7[%dma_start3A_64, %dma_start3A_65] : memref<10240x128xf32, #tpu.memory_space<vmem_shared>> -> memref<10240x128xf32, #tpu.memory_space<vmem_shared>>
        tpu.enqueue_indirect_dma source(%arg11 : memref<80x128xf32, #tpu.memory_space<vmem>>) target(%dma_start3A_66 : memref<10240x128xf32, #tpu.memory_space<vmem_shared>>) offsets(%dma_start3A_63 : memref<80xi32, #tpu.memory_space<vmem>>) semaphore(%run_scoped3A : memref<!tpu.dma_semaphore, #tpu.memory_space<semaphore_mem>>) {add = true}
        %dma_wait3A_67 = tpu.memref_slice %arg9[%mul3A_62] : memref<10000xi32, #tpu.memory_space<vmem>> -> memref<80xi32, #tpu.memory_space<vmem>>
        %dma_wait3A_68 = arith.constant 0 : i32
        %dma_wait3A_69 = arith.constant 0 : i32
        %dma_wait3A_70 = tpu.memref_slice %arg7[%dma_wait3A_68, %dma_wait3A_69] : memref<10240x128xf32, #tpu.memory_space<vmem_shared>> -> memref<10240x128xf32, #tpu.memory_space<vmem_shared>>
        tpu.wait_indirect_dma semaphore(%run_scoped3A : memref<!tpu.dma_semaphore, #tpu.memory_space<semaphore_mem>>) src(%arg11 : memref<80x128xf32, #tpu.memory_space<vmem>>) dst(%dma_wait3A_70 : memref<10240x128xf32, #tpu.memory_space<vmem_shared>>)
        tpu.yield
      }) : () -> ()
    }
    %scan3A_15 = arith.constant 62 : i32
    %dma_wait3A = arith.constant 9920 : i32
    %dma_wait3A_16 = tpu.memref_slice %arg8[%dma_wait3A] : memref<10000xi32, #tpu.memory_space<vmem>> -> memref<80xi32, #tpu.memory_space<vmem>>
    %dma_wait3A_17 = arith.constant 0 : i32
    %dma_wait3A_18 = arith.constant 0 : i32
    %dma_wait3A_19 = tpu.memref_slice %arg4[%dma_wait3A_17, %dma_wait3A_18] : memref<10240x128xf32, #tpu.memory_space<hbm>> -> memref<10240x128xf32, #tpu.memory_space<hbm>>
    tpu.wait_indirect_dma semaphore(%arg12 : memref<!tpu.dma_semaphore, #tpu.memory_space<semaphore_mem>>) src(%dma_wait3A_19 : memref<10240x128xf32, #tpu.memory_space<hbm>>) dst(%arg10 : memref<80x128xf32, #tpu.memory_space<vmem>>)
    "tpu.region"() ({
      %run_scoped3A = tpu.sem_alloc : memref<!tpu.dma_semaphore, #tpu.memory_space<semaphore_mem>>
      %dma_start3A_28 = arith.constant 9920 : i32
      %dma_start3A_29 = tpu.memref_slice %arg9[%dma_start3A_28] : memref<10000xi32, #tpu.memory_space<vmem>> -> memref<80xi32, #tpu.memory_space<vmem>>
      %dma_start3A_30 = arith.constant 0 : i32
      %dma_start3A_31 = arith.constant 0 : i32
      %dma_start3A_32 = tpu.memref_slice %arg7[%dma_start3A_30, %dma_start3A_31] : memref<10240x128xf32, #tpu.memory_space<vmem_shared>> -> memref<10240x128xf32, #tpu.memory_space<vmem_shared>>
      tpu.enqueue_indirect_dma source(%arg10 : memref<80x128xf32, #tpu.memory_space<vmem>>) target(%dma_start3A_32 : memref<10240x128xf32, #tpu.memory_space<vmem_shared>>) offsets(%dma_start3A_29 : memref<80xi32, #tpu.memory_space<vmem>>) semaphore(%run_scoped3A : memref<!tpu.dma_semaphore, #tpu.memory_space<semaphore_mem>>) {add = true}
      %dma_wait3A_33 = arith.constant 9920 : i32
      %dma_wait3A_34 = tpu.memref_slice %arg9[%dma_wait3A_33] : memref<10000xi32, #tpu.memory_space<vmem>> -> memref<80xi32, #tpu.memory_space<vmem>>
      %dma_wait3A_35 = arith.constant 0 : i32
      %dma_wait3A_36 = arith.constant 0 : i32
      %dma_wait3A_37 = tpu.memref_slice %arg7[%dma_wait3A_35, %dma_wait3A_36] : memref<10240x128xf32, #tpu.memory_space<vmem_shared>> -> memref<10240x128xf32, #tpu.memory_space<vmem_shared>>
      tpu.wait_indirect_dma semaphore(%run_scoped3A : memref<!tpu.dma_semaphore, #tpu.memory_space<semaphore_mem>>) src(%arg10 : memref<80x128xf32, #tpu.memory_space<vmem>>) dst(%dma_wait3A_37 : memref<10240x128xf32, #tpu.memory_space<vmem_shared>>)
      tpu.yield
    }) : () -> ()
    %barrier3A_20 = arith.constant 0 : index
    tpu.barrier barrier_id(%barrier3A_20)
    %mul3A_21 = arith.constant 640 : i32
    %mul3A_22 = arith.muli %arg1, %mul3A_21 : i32
    %mul3A_23 = arith.constant 10240 : i32
    %mul3A_24 = arith.muli %arg0, %mul3A_23 : i32
    %mul3A_25 = arith.constant 640 : i32
    %mul3A_26 = arith.muli %arg1, %mul3A_25 : i32
    %add3A_27 = arith.addi %mul3A_24, %mul3A_26 : i32
    "tpu.region"() ({
      %run_scoped3A = tpu.sem_alloc : memref<!tpu.dma_semaphore, #tpu.memory_space<semaphore_mem>>
      %dma_start3A_28 = arith.constant 0 : i32
      %dma_start3A_29 = tpu.memref_slice %arg6[%add3A_27, %dma_start3A_28] : memref<20480x128xf32, #tpu.memory_space<hbm>> -> memref<640x128xf32, #tpu.memory_space<hbm>>
      %dma_start3A_30 = arith.constant 0 : i32
      %dma_start3A_31 = tpu.memref_slice %arg7[%mul3A_22, %dma_start3A_30] : memref<10240x128xf32, #tpu.memory_space<vmem_shared>> -> memref<640x128xf32, #tpu.memory_space<vmem_shared>>
      tpu.enqueue_dma source(%dma_start3A_31 : memref<640x128xf32, #tpu.memory_space<vmem_shared>>) target(%dma_start3A_29 : memref<640x128xf32, #tpu.memory_space<hbm>>) target_semaphore(%run_scoped3A : memref<!tpu.dma_semaphore, #tpu.memory_space<semaphore_mem>>)
      %dma_wait3A_32 = arith.constant 0 : i32
      %dma_wait3A_33 = tpu.memref_slice %arg6[%add3A_27, %dma_wait3A_32] : memref<20480x128xf32, #tpu.memory_space<hbm>> -> memref<640x128xf32, #tpu.memory_space<hbm>>
      %dma_wait3A_34 = arith.constant 0 : i32
      %dma_wait3A_35 = tpu.memref_slice %arg7[%mul3A_22, %dma_wait3A_34] : memref<10240x128xf32, #tpu.memory_space<vmem_shared>> -> memref<640x128xf32, #tpu.memory_space<vmem_shared>>
      tpu.wait_dma2 semaphore(%run_scoped3A : memref<!tpu.dma_semaphore, #tpu.memory_space<semaphore_mem>>) src(%dma_wait3A_35 : memref<640x128xf32, #tpu.memory_space<vmem_shared>>) dst(%dma_wait3A_33 : memref<640x128xf32, #tpu.memory_space<hbm>>)
      tpu.yield
    }) : () -> ()
    return
  }
}

module attributes {stable_mosaic.version = 14 : i64} {
  func.func @_mm_body(%arg0: i32, %arg1: memref<2048x128xf32, #tpu.memory_space<vmem>>, %arg2: memref<128x128xf32, #tpu.memory_space<vmem>>, %arg3: memref<2048x128xf32, #tpu.memory_space<vmem>>) attributes {dimension_semantics = [#tpu.dimension_semantics<arbitrary>], iteration_bounds = array<i64: 5>, scalar_prefetch = 0 : i64, scratch_operands = 0 : i64, tpu.core_type = #tpu.core_type<tc>, window_params = [{transform_indices = @transform_0, window_bounds = array<i64: 2048, 128>}, {pipeline_mode = #tpu.pipeline_mode<synchronous>, transform_indices = @transform_1, window_bounds = array<i64: 128, 128>}, {transform_indices = @transform_2, window_bounds = array<i64: 2048, 128>}]} {
    %get3A = arith.constant 0 : index
    %get3A_0 = arith.constant 0 : index
    %get3A_1 = vector.load %arg1[%get3A, %get3A_0] : memref<2048x128xf32, #tpu.memory_space<vmem>>, vector<2048x128xf32>
    %get3A_2 = arith.constant 0 : index
    %get3A_3 = arith.constant 0 : index
    %get3A_4 = vector.load %arg2[%get3A_2, %get3A_3] : memref<128x128xf32, #tpu.memory_space<vmem>>, vector<128x128xf32>
    %dot_general3A = arith.constant dense<0.000000e+00> : vector<2048x128xf32>
    %dot_general3A_5 = tpu.matmul %get3A_1, %get3A_4, %dot_general3A {dimension_numbers = #tpu.dot_dimension_numbers<[1], [0], [0], [1], [0, 0, 1, 1], [], []>, precision = #tpu.contract_precision<fp32>, transpose_lhs_hint = false} : vector<2048x128xf32>, vector<128x128xf32>, vector<2048x128xf32> -> vector<2048x128xf32>
    %swap3A = arith.constant 0 : index
    %swap3A_6 = arith.constant 0 : index
    %swap3A_7 = vector.load %arg3[%swap3A, %swap3A_6] : memref<2048x128xf32, #tpu.memory_space<vmem>>, vector<2048x128xf32>
    tpu.vector_store %arg3[%swap3A, %swap3A_6], %dot_general3A_5 {strides = array<i32>} : memref<2048x128xf32, #tpu.memory_space<vmem>>, vector<2048x128xf32>,
    return
  }
  func.func @transform_0(%arg0: i32) -> (i32, i32) {
    %c0_i32 = arith.constant 0 : i32
    %c0_i32_0 = arith.constant 0 : i32
    return %arg0, %c0_i32 : i32, i32
  }
  func.func @transform_1(%arg0: i32) -> (i32, i32) {
    %c0_i32 = arith.constant 0 : i32
    %c0_i32_0 = arith.constant 0 : i32
    %c0_i32_1 = arith.constant 0 : i32
    return %c0_i32, %c0_i32_0 : i32, i32
  }
  func.func @transform_2(%arg0: i32) -> (i32, i32) {
    %c0_i32 = arith.constant 0 : i32
    %c0_i32_0 = arith.constant 0 : i32
    return %arg0, %c0_i32 : i32, i32
  }
}

module attributes {stable_mosaic.version = 14 : i64} {
  func.func @_scale_body(%arg0: i32, %arg1: memref<2048x128xf32, #tpu.memory_space<vmem>>, %arg2: memref<2048x1xf32, #tpu.memory_space<vmem>>, %arg3: memref<2048x128xf32, #tpu.memory_space<vmem>>) attributes {dimension_semantics = [#tpu.dimension_semantics<arbitrary>], iteration_bounds = array<i64: 5>, scalar_prefetch = 0 : i64, scratch_operands = 0 : i64, tpu.core_type = #tpu.core_type<tc>, window_params = [{transform_indices = @transform_0, window_bounds = array<i64: 2048, 128>}, {transform_indices = @transform_1, window_bounds = array<i64: 2048, 1>}, {transform_indices = @transform_2, window_bounds = array<i64: 2048, 128>}]} {
    %get3A = arith.constant 0 : index
    %get3A_0 = arith.constant 0 : index
    %get3A_1 = vector.load %arg2[%get3A, %get3A_0] : memref<2048x1xf32, #tpu.memory_space<vmem>>, vector<2048x1xf32>
    %add3A = arith.constant 1.000000e+00 : f32
    %add3A_2 = vector.broadcast %add3A : f32 to vector<2048x1xf32>
    %add3A_3 = arith.addf %get3A_1, %add3A_2 : vector<2048x1xf32>
    %rsqrt3A = math.rsqrt %add3A_3 : vector<2048x1xf32>
    %get3A_4 = arith.constant 0 : index
    %get3A_5 = arith.constant 0 : index
    %get3A_6 = vector.load %arg1[%get3A_4, %get3A_5] : memref<2048x128xf32, #tpu.memory_space<vmem>>, vector<2048x128xf32>
    %mul3A = vector.broadcast %rsqrt3A : vector<2048x1xf32> to vector<2048x128xf32>
    %mul3A_7 = arith.mulf %get3A_6, %mul3A : vector<2048x128xf32>
    %swap3A = arith.constant 0 : index
    %swap3A_8 = arith.constant 0 : index
    %swap3A_9 = vector.load %arg3[%swap3A, %swap3A_8] : memref<2048x128xf32, #tpu.memory_space<vmem>>, vector<2048x128xf32>
    tpu.vector_store %arg3[%swap3A, %swap3A_8], %mul3A_7 {strides = array<i32>} : memref<2048x128xf32, #tpu.memory_space<vmem>>, vector<2048x128xf32>,
    return
  }
  func.func @transform_0(%arg0: i32) -> (i32, i32) {
    %c0_i32 = arith.constant 0 : i32
    %c0_i32_0 = arith.constant 0 : i32
    return %arg0, %c0_i32 : i32, i32
  }
  func.func @transform_1(%arg0: i32) -> (i32, i32) {
    %c0_i32 = arith.constant 0 : i32
    %c0_i32_0 = arith.constant 0 : i32
    return %arg0, %c0_i32 : i32, i32
  }
  func.func @transform_2(%arg0: i32) -> (i32, i32) {
    %c0_i32 = arith.constant 0 : i32
    %c0_i32_0 = arith.constant 0 : i32
    return %arg0, %c0_i32 : i32, i32
  }
}

module attributes {stable_mosaic.version = 14 : i64} {
  func.func @_tc2_body(%arg0: i32, %arg1: memref<2x2048x128xf32, #tpu.memory_space<vmem>>, %arg2: memref<2048x128xf32, #tpu.memory_space<vmem>>, %arg3: memref<2048x1xf32, #tpu.memory_space<vmem>>, %arg4: memref<1x128xf32, #tpu.memory_space<vmem>>, %arg5: memref<128x4xf32, #tpu.memory_space<vmem>>, %arg6: memref<1x4xf32, #tpu.memory_space<vmem>>, %arg7: memref<2048x4xf32, #tpu.memory_space<vmem>>) attributes {dimension_semantics = [#tpu.dimension_semantics<arbitrary>], iteration_bounds = array<i64: 5>, scalar_prefetch = 0 : i64, scratch_operands = 0 : i64, tpu.core_type = #tpu.core_type<tc>, window_params = [{transform_indices = @transform_0, window_bounds = array<i64: 2, 2048, 128>}, {transform_indices = @transform_1, window_bounds = array<i64: 2048, 128>}, {transform_indices = @transform_2, window_bounds = array<i64: 2048, 1>}, {pipeline_mode = #tpu.pipeline_mode<synchronous>, transform_indices = @transform_3, window_bounds = array<i64: 1, 128>}, {pipeline_mode = #tpu.pipeline_mode<synchronous>, transform_indices = @transform_4, window_bounds = array<i64: 128, 4>}, {pipeline_mode = #tpu.pipeline_mode<synchronous>, transform_indices = @transform_5, window_bounds = array<i64: 1, 4>}, {transform_indices = @transform_6, window_bounds = array<i64: 2048, 4>}]} {
    %get3A = arith.constant 0 : index
    %get3A_0 = arith.constant 0 : index
    %get3A_1 = vector.load %arg3[%get3A, %get3A_0] : memref<2048x1xf32, #tpu.memory_space<vmem>>, vector<2048x1xf32>
    %add3A = arith.constant 1.000000e+00 : f32
    %add3A_2 = vector.broadcast %add3A : f32 to vector<2048x1xf32>
    %add3A_3 = arith.addf %get3A_1, %add3A_2 : vector<2048x1xf32>
    %rsqrt3A = math.rsqrt %add3A_3 : vector<2048x1xf32>
    %get3A_4 = arith.constant 0 : index
    %get3A_5 = arith.constant 0 : index
    %get3A_6 = arith.constant 0 : index
    %get3A_7 = vector.load %arg1[%get3A_4, %get3A_5, %get3A_6] : memref<2x2048x128xf32, #tpu.memory_space<vmem>>, vector<1x2048x128xf32>
    %get3A_8 = vector.shape_cast %get3A_7 : vector<1x2048x128xf32> to vector<2048x128xf32>
    %get3A_9 = arith.constant 1 : index
    %get3A_10 = arith.constant 0 : index
    %get3A_11 = arith.constant 0 : index
    %get3A_12 = vector.load %arg1[%get3A_9, %get3A_10, %get3A_11] : memref<2x2048x128xf32, #tpu.memory_space<vmem>>, vector<1x2048x128xf32>
    %get3A_13 = vector.shape_cast %get3A_12 : vector<1x2048x128xf32> to vector<2048x128xf32>
    %add3A_14 = arith.addf %get3A_8, %get3A_13 : vector<2048x128xf32>
    %get3A_15 = arith.constant 0 : index
    %get3A_16 = arith.constant 0 : index
    %get3A_17 = vector.load %arg2[%get3A_15, %get3A_16] : memref<2048x128xf32, #tpu.memory_space<vmem>>, vector<2048x128xf32>
    %add3A_18 = arith.addf %add3A_14, %get3A_17 : vector<2048x128xf32>
    %mul3A = vector.broadcast %rsqrt3A : vector<2048x1xf32> to vector<2048x128xf32>
    %mul3A_19 = arith.mulf %mul3A, %add3A_18 : vector<2048x128xf32>
    %get3A_20 = arith.constant 0 : index
    %get3A_21 = arith.constant 0 : index
    %get3A_22 = vector.load %arg4[%get3A_20, %get3A_21] : memref<1x128xf32, #tpu.memory_space<vmem>>, vector<1x128xf32>
    %add3A_23 = vector.broadcast %get3A_22 : vector<1x128xf32> to vector<2048x128xf32>
    %add3A_24 = arith.addf %mul3A_19, %add3A_23 : vector<2048x128xf32>
    %max3A = arith.constant 0.000000e+00 : f32
    %max3A_25 = vector.broadcast %max3A : f32 to vector<2048x128xf32>
    %max3A_26 = arith.maximumf %add3A_24, %max3A_25 : vector<2048x128xf32>
    %get3A_27 = arith.constant 0 : index
    %get3A_28 = arith.constant 0 : index
    %get3A_29 = vector.load %arg5[%get3A_27, %get3A_28] : memref<128x4xf32, #tpu.memory_space<vmem>>, vector<128x4xf32>
    %dot_general3A = arith.constant dense<0.000000e+00> : vector<2048x4xf32>
    %dot_general3A_30 = tpu.matmul %max3A_26, %get3A_29, %dot_general3A {dimension_numbers = #tpu.dot_dimension_numbers<[1], [0], [0], [1], [0, 0, 1, 1], [], []>, precision = #tpu.contract_precision<fp32>, transpose_lhs_hint = false} : vector<2048x128xf32>, vector<128x4xf32>, vector<2048x4xf32> -> vector<2048x4xf32>
    %get3A_31 = arith.constant 0 : index
    %get3A_32 = arith.constant 0 : index
    %get3A_33 = vector.load %arg6[%get3A_31, %get3A_32] : memref<1x4xf32, #tpu.memory_space<vmem>>, vector<1x4xf32>
    %add3A_34 = vector.broadcast %get3A_33 : vector<1x4xf32> to vector<2048x4xf32>
    %add3A_35 = arith.addf %dot_general3A_30, %add3A_34 : vector<2048x4xf32>
    %swap3A = arith.constant 0 : index
    %swap3A_36 = arith.constant 0 : index
    %swap3A_37 = vector.load %arg7[%swap3A, %swap3A_36] : memref<2048x4xf32, #tpu.memory_space<vmem>>, vector<2048x4xf32>
    tpu.vector_store %arg7[%swap3A, %swap3A_36], %add3A_35 {strides = array<i32>} : memref<2048x4xf32, #tpu.memory_space<vmem>>, vector<2048x4xf32>,
    return
  }
  func.func @transform_0(%arg0: i32) -> (i32, i32, i32) {
    %c0_i32 = arith.constant 0 : i32
    %c0_i32_0 = arith.constant 0 : i32
    %c0_i32_1 = arith.constant 0 : i32
    return %c0_i32, %arg0, %c0_i32_0 : i32, i32, i32
  }
  func.func @transform_1(%arg0: i32) -> (i32, i32) {
    %c0_i32 = arith.constant 0 : i32
    %c0_i32_0 = arith.constant 0 : i32
    return %arg0, %c0_i32 : i32, i32
  }
  func.func @transform_2(%arg0: i32) -> (i32, i32) {
    %c0_i32 = arith.constant 0 : i32
    %c0_i32_0 = arith.constant 0 : i32
    return %arg0, %c0_i32 : i32, i32
  }
  func.func @transform_3(%arg0: i32) -> (i32, i32) {
    %c0_i32 = arith.constant 0 : i32
    %c0_i32_0 = arith.constant 0 : i32
    %c0_i32_1 = arith.constant 0 : i32
    return %c0_i32, %c0_i32_0 : i32, i32
  }
  func.func @transform_4(%arg0: i32) -> (i32, i32) {
    %c0_i32 = arith.constant 0 : i32
    %c0_i32_0 = arith.constant 0 : i32
    %c0_i32_1 = arith.constant 0 : i32
    return %c0_i32, %c0_i32_0 : i32, i32
  }
  func.func @transform_5(%arg0: i32) -> (i32, i32) {
    %c0_i32 = arith.constant 0 : i32
    %c0_i32_0 = arith.constant 0 : i32
    %c0_i32_1 = arith.constant 0 : i32
    return %c0_i32, %c0_i32_0 : i32, i32
  }
  func.func @transform_6(%arg0: i32) -> (i32, i32) {
    %c0_i32 = arith.constant 0 : i32
    %c0_i32_0 = arith.constant 0 : i32
    return %arg0, %c0_i32 : i32, i32
  }
}

</mosaic_0001>

<sc_bundles>
// kernel: kernel.11.cloned.1.call-start
scs
__scs_entry_jumppad:
0x0: {  	(pc) =	sbr.rel $0x88, $3  }
0x1: {  	(tag) =	ssettag $0x0;
	lr =	simm.s32 $0x1  }
0x2: {  	[smem:$0x3F9B] =	sst lr;
	_ =	strace $0xD0000000  }
0x3: {  	_ = 	snop  }
0x4: {  	_ = 	snop  }
0x5: {  	_ = 	snop  }
0x6: {  	_ = 	snop  }
0x7: {  	_ = 	snop  }
__scs_overlays_trampoline_lowered:
0x8: {  	[smem:$0x3FAA] =	sst s0  }
0x9: {  	[smem:$0x3FAB] =	sst s1  }
0xa: {  	[smem:$0x3FAC] =	sst s2  }
0xb: {  	[smem:$0x3FAD] =	sst s3  }
0xc: {  	[smem:$0x3FAE] =	sst s4  }
0xd: {  	[smem:$0x3FAF] =	sst s5  }
0xe: {  	[smem:$0x3FB0] =	sst s6  }
0xf: {  	[smem:$0x3FB1] =	sst s7  }
0x10: {  	[smem:$0x3FB2] =	sst s8  }
0x11: {  	[smem:$0x3FB3] =	sst s9;
	s0 =	simm.s32 @!p0 $0x0  }
0x12: {  	s1 =	sld [smem:$0x3F99];
	s0 =	simm.s32 @p0 $0x1  }
0x13: {  	[smem:$0x3FB4] =	sst s0;
	s0 =	simm.s32 @!p1 $0x0  }
0x14: {  	s2 =	sld [smem:$0x3F98];
	s0 =	simm.s32 @p1 $0x1  }
0x15: {  	[smem:$0x3FB5] =	sst s0;
	s0 =	simm.s32 @!p2 $0x0  }
0x16: {  	s3 =	sld [smem:$0x3FDB];
	s0 =	simm.s32 @p2 $0x1  }
0x17: {  	s4 =	simm.s32 $0x1BF5;
	[smem:$0x3FB7] =	sst s0  }
0x18: {  	s0 =	sld [smem:$0x3F9A];
	_ =	swait.ge [sflag:s4], $0x0  }
0x19: {  	s7 =	sld [smem:$0x3F9B]  }
0x1a: {  	s8 =	sadd.s32 $0xFFFFE003, lr  }
0x1b: {  	s9 =	sadd.s32 $0xFFFFFEF7, lr;
	s5 =	simm.s32 $0xFFFFFFFF;
	p2 =	slt.u32 s8, $0xFFFFF086  }
0x1c: {  	p1 =	slt.u32 s9, $0xF7A;
	s5 =	simm.s32 @!p2 $0x0  }
0x1d: {  	s5 =	simm.s32 @p1 $0x1;
	p0 =	seq.s32 s7, s2  }
0x1e: {  	s7 =	smul.u32 @!p0 $0xF7A, s2;
	p2 =	seq.s32 @!p0 s5, $0x0  }
0x1f: {  	s9 =	smul.u32 $0xF7A, s1;
	s8 =	simm.s32 @!p0 $0x1BF5;
	p2 =	por !p2, p0  }
0x20: {  	[sflag:s8] =	ssyncset.s32 @!p0 $0xFFFFF086;
	s6 =	sadd.s32 @!p0 s3, s7;
	s7 =	simm.s32 @!p0 $0x108  }
0x21: {  	s3 =	sadd.s32 s3, s9;
	s6 =	sadd.s32 @!p0 $0x88, s6;
	s7 =	simm.s32 @p2 $0x1082  }
0x22: {  	[simem:s7], [sflag:s8] =	dma.local @!p0 [hbm:s6], $0xF7A  }
0x23: {  	s9 =	sor.u32 $0xD0000000, s2;
	s6 =	simm.s32 $0x108;
	_ =	swait.ge @!p0 [sflag:s8], $0x0  }
0x24: {  	s3 =	sadd.s32 $0x88, s3;
	s6 =	simm.s32 @!p1 $0x1082;
	[sflag:s4] =	ssyncset.s32 $0xFFFFF086  }
0x25: {  	[simem:s6], [sflag:s4] =	dma.local [hbm:s3], $0xF7A  }
0x26: {  	[smem:$0x3F9B] =	sst s1;
	(tag) =	ssettag s2;
	_ =	strace s9  }
0x27: {  	s1 =	sld [smem:$0x3FAB]  }
0x28: {  	s2 =	sld [smem:$0x3FAC]  }
0x29: {  	s4 =	sld [smem:$0x3FAE]  }
0x2a: {  	p0 =	seq.s32 s5, $0x0;
	s5 =	sld [smem:$0x3FAF]  }
0x2b: {  	s6 =	sld [smem:$0x3FB0]  }
0x2c: {  	s7 =	sld [smem:$0x3FB1]  }
0x2d: {  	s3 =	simm.s32 $0x108;
	s8 =	sld [smem:$0x3FB2]  }
0x2e: {  	s3 =	simm.s32 @!p0 $0x1082;
	s9 =	sld [smem:$0x3FB3]  }
0x2f: {  	lr =	sadd.s32 s0, s3;
	s0 =	sld [smem:$0x3FAA]  }
0x30: {  	s3 =	sld [smem:$0x3FAD]  }
0x31: {  	[smem:$0x3FB6] =	sst s10  }
0x32: {  	s10 =	sld [smem:$0x3FB4];
	_ =	sdelay $0x3  }
0x33: {  	p0 =	seq.s32 s10, $0x1;
	s10 =	sld [smem:$0x3FB6];
	_ =	sdelay $0x3  }
0x34: {  	[smem:$0x3FB6] =	sst s10  }
0x35: {  	s10 =	sld [smem:$0x3FB5];
	_ =	sdelay $0x3  }
0x36: {  	p1 =	seq.s32 s10, $0x1;
	s10 =	sld [smem:$0x3FB6];
	_ =	sdelay $0x3  }
0x37: {  	[smem:$0x3FB6] =	sst s10  }
0x38: {  	s10 =	sld [smem:$0x3FB7]  }
0x39: {  	_ = 	snop;
	(pc) =	sbr.ind lr, $3  }
0x3a: {  	_ = 	snop  }
0x3b: {  	_ = 	snop  }
0x3c: {  	p2 =	seq.s32 s10, $0x1;
	s10 =	sld [smem:$0x3FB6]  }
0x3d: {  	_ =	shalt  }
0x3e: {  	_ =	shalt  }
0x3f: {  	_ =	shalt  }
0x40: {  	_ =	shalt  }
0x41: {  	_ =	shalt  }
0x42: {  	_ =	shalt  }
0x43: {  	_ =	shalt  }
0x44: {  	_ =	shalt  }
0x45: {  	_ =	shalt  }
0x46: {  	_ =	shalt  }
0x47: {  	_ =	shalt  }
0x48: {  	_ =	shalt  }
0x49: {  	_ =	shalt  }
0x4a: {  	_ =	shalt  }
0x4b: {  	_ =	shalt  }
0x4c: {  	_ =	shalt  }
0x4d: {  	_ =	shalt  }
0x4e: {  	_ =	shalt  }
0x4f: {  	_ =	shalt  }
0x50: {  	_ =	shalt  }
0x51: {  	_ =	shalt  }
0x52: {  	_ =	shalt  }
0x53: {  	_ =	shalt  }
0x54: {  	_ =	shalt  }
0x55: {  	_ =	shalt  }
0x56: {  	_ =	shalt  }
0x57: {  	_ =	shalt  }
0x58: {  	_ =	shalt  }
0x59: {  	_ =	shalt  }
0x5a: {  	_ =	shalt  }
0x5b: {  	_ =	shalt  }
0x5c: {  	_ =	shalt  }
0x5d: {  	_ =	shalt  }
0x5e: {  	_ =	shalt  }
0x5f: {  	_ =	shalt  }
0x60: {  	_ =	shalt  }
0x61: {  	_ =	shalt  }
0x62: {  	_ =	shalt  }
0x63: {  	_ =	shalt  }
0x64: {  	_ =	shalt  }
0x65: {  	_ =	shalt  }
0x66: {  	_ =	shalt  }
0x67: {  	_ =	shalt  }
0x68: {  	_ =	shalt  }
0x69: {  	_ =	shalt  }
0x6a: {  	_ =	shalt  }
0x6b: {  	_ =	shalt  }
0x6c: {  	_ =	shalt  }
0x6d: {  	_ =	shalt  }
0x6e: {  	_ =	shalt  }
0x6f: {  	_ =	shalt  }
0x70: {  	_ =	shalt  }
0x71: {  	_ =	shalt  }
0x72: {  	_ =	shalt  }
0x73: {  	_ =	shalt  }
0x74: {  	_ =	shalt  }
0x75: {  	_ =	shalt  }
0x76: {  	_ =	shalt  }
0x77: {  	_ =	shalt  }
0x78: {  	_ =	shalt  }
0x79: {  	_ =	shalt  }
0x7a: {  	_ =	shalt  }
0x7b: {  	_ =	shalt  }
0x7c: {  	_ =	shalt  }
0x7d: {  	_ =	shalt  }
0x7e: {  	_ =	shalt  }
0x7f: {  	_ =	shalt  }
0x80: {  	_ =	shalt  }
0x81: {  	_ =	shalt  }
0x82: {  	_ =	shalt  }
0x83: {  	_ =	shalt  }
0x84: {  	_ =	shalt  }
0x85: {  	_ =	shalt  }
0x86: {  	_ =	shalt  }
0x87: {  	_ =	shalt  }
.Lfunc_end0:
.L_simem_size_0:
called_computation.1_lowered:
.L_overlay_start_0:
0x88: {  	s2 =	sld [smem:$0x3FD9]  }
0x89: {  	s3 =	sld [smem:$0x3FFE];
	_ =	sdelay $0x1  }
0x8a: {  	s1 =	srdreg.scid  }
0x8b: {  	s0 =	sand.u32 $0x1, s1  }
0x8c: {  	s16 =	sshll.u32 s0, $0xA;
	s2 =	sadd.s32 s3, s2  }
0x8d: {  	s2 =	sadd.s32 s2, s16  }
0x8e: {  	[smem:$0x3FC2] =	sst s2  }
0x8f: {  	_ = 	snop  }
0x90: {  	(tm) =	ssettm $0x1  }
0x91: {  	s17 =	sld [smem:$0x3FFB];
	_ =	sdelay $0x3  }
0x92: {  	_ =	strace s17  }
0x93: {  	s2 =	sld [smem:$0x3FFC];
	_ =	sdelay $0x3  }
0x94: {  	_ =	strace s2  }
0x95: {  	s2 =	sld [smem:$0x3FFD];
	_ =	sdelay $0x3  }
0x96: {  	_ =	strace s2  }
0x97: {  	_ =	strace $0x8FFFFFFF  }
0x98: {  	s18 =	sld [smem:$0x3FDB];
	_ =	sdelay $0x1  }
0x99: {  	s19 =	simm.s32 $_scs_section_size  }
0x9a: {  	s4 =	simm.s32 $_size__tile_overlayer_lowered;
	s5 =	simm.s32 $_tile_overlayer_lowered  }
0x9b: {  	s22 =	simm.s32 $0x1BFF;
	s21 =	sshll.u32 s5, $0x1;
	s2 =	sadd.s32 s19, s18  }
0x9c: {  	s6 =	simm.s32 $0x0;
	s20 =	sshll.u32 s4, $0x1;
	s4 =	sadd.s32 s21, s2  }
0x9d: {  	[timem:s6], [sflag:s22] =	dma.local [hbm:s4], s20  }
0x9e: {  	_ =	swait.ge [sflag:s22], s20  }
0x9f: {  	s3 =	ssub.s32 $0x0, s20;
	[sflag:s22] =	ssyncset.done $0x0  }
0xa0: {  	[sflag:s22] =	ssyncadd.s32 s3;
	_ =	sdelay $0x1  }
0xa1: {  	s23 =	simm.s32 $0x1B8B  }
0xa2: {  	_ =	swait.ge [sflag:s23], $0x1  }
0xa3: {  	[sflag:s23] =	ssyncset.done $0x0  }
0xa4: {  	s25 =	simm.s32 $0x1B8E;
	s24 =	sld [smem:$0x3FFE];
	[sflag:s23] =	ssyncadd.s32 $0xFFFFFFFF  }
0xa5: {  	s26 =	simm.s32 $execute0_lowered;
	[smem:$0x3FD2] =	sst s25  }
0xa6: {  	s4 =	sshll.u32 s26, $0x1;
	_ =	strace $0x80000049;
	[dreg:$0x1] =	wrdreg $0xFFFFFFFF  }
0xa7: {  	s28 =	simm.s32 $_size_execute0_lowered;
	s2 =	sadd.s32 s2, s4;
	[dreg:$0x0] =	wrdreg $0x0  }
0xa8: {  	s4 =	sshll.u32 s28, $0x1;
	[dreg:$0x2] =	wrdreg s2  }
0xa9: {  	[dreg:$0x3] =	wrdreg s4  }
0xaa: {  	[dreg:$0x4] =	wrdreg $0xC0  }
0xab: {  	_ =	task [dreg:s6], $0x5FFFF  }
0xac: {  	[dreg:$0x1] =	wrdreg $0xFFFFFFFF  }
0xad: {  	[dreg:$0x0] =	wrdreg $0x60  }
0xae: {  	[dreg:$0x2] =	wrdreg s24  }
0xaf: {  	[dreg:$0x3] =	wrdreg $0x0  }
0xb0: {  	[dreg:$0x4] =	wrdreg $0x9  }
0xb1: {  	_ =	task.clear_ibuf [dreg:s6], $0x5FFFF;
	_ =	strace $0x90000049  }
0xb2: {  	s29 =	simm.s32 $0x9;
	_ =	strace $0x8000004B  }
0xb3: {  	_ =	swait.ge [sflag:s29], $0x1  }
0xb4: {  	[sflag:s29] =	ssyncadd.s32 $0xFFFFFFFF  }
0xb5: {  	_ =	strace $0x9000004B  }
0xb6: {  	_ =	sfence  }
0xb7: {  	s30 =	sld [smem:$0x0];
	_ =	sdelay $0x2  }
0xb8: {  	s31 =	sshll.u32 s1, $0xD;
	s1 =	sshrl.u32 s1, $0x2  }
0xb9: {  	s3 =	sand.u32 $0x4000, s31;
	s1 =	sadd.s32 s1, s30  }
0xba: {  	s0 =	sor.u32 s3, s0;
	s1 =	sshll.u32 s1, $0x11  }
0xbb: {  	s0 =	sor.u32 s1, s0  }
0xbc: {  	s0 =	sadd.s32 $0x8F2B, s0  }
0xbd: {  	[sflag:s0] =	ssyncadd.remote.s32 $0x1  }
0xbe: {  	_ =	sfence.sel $0xFFFF  }
0xbf: {  	[dreg:$0x0] =	wrdreg $0xFFFFFFFF;
	(pc) =	sbr.abs _section_cstart, $3  }
0xc0: {  	[dreg:$0x1] =	wrdreg $0xFFFFFFFF  }
0xc1: {  	_ =	task.clear_ibuf [dreg:s6], $0x2FFFF;
	_ =	strace $0x9FFFFFFF  }
0xc2: {  	(tm) =	ssettm $0x7FFFFFFF  }
0xc3: {  	_ =	shalt  }
tec
execute0_lowered:
.L_overlay_start_1:
0x0: {  	(tag) =	ssettag $0x1  }
0x1: {  	s1 =	srdreg.scid;
	s6 =	rddreg [dreg:$0x0]  }
0x2: {  	s0 =	stileid.u32;
	s2 =	rddreg [dreg:$0x1]  }
0x3: {  	s3 =	simm.s32 $0x0;
	s14 =	simm.s32 $0x16780;
	s15 =	simm.s32 $0x50  }
0x4: {  	s16 =	simm.s32 $0x18F00;
	s17 =	simm.s32 $0x1B700;
	s18 =	simm.s32 $0x1  }
0x5: {  	s19 =	simm.s32 $0x2;
	s20 =	simm.s32 $0x18E40;
	s21 =	simm.s32 $0x0  }
0x6: {  	s5 =	sand.u32 $0x1, s1;
	s28 =	sshll.u32 s0, $0x1;
	s7 =	smul.u32 $0x2800, s0  }
0x7: {  	[smem:$0x7FF] =	sst s3;
	s10 =	smul.u32 $0x50000, s0;
	s31 =	sshll.u32 s0, $0x6  }
0x8: {  	s1 =	sor.u32 s5, s28;
	s8 =	smul.u32 $0x28000, s5;
	s5 =	ssub.s32 $0x2, s5  }
0x9: {  	s4 =	smul.u32 $0x4E2, s1;
	s1 =	rddreg [dreg:$0x2];
	_ =	strace $0x8000004A  }
0xa: {  	s29 =	sshrl.u32 s5, $0x1;
	s30 =	sshrl.u32 s10, $0x2;
	s8 =	sadd.s32 s7, s8  }
0xb: {  	s7 =	sadd.s32 s7, s6;
	s12 =	ssub.s32 s5, s29;
	s13 =	sadd.s32 s30, s2  }
0xc: {  	s9 =	sadd.s32 s4, s6;
	s4 =	sadd.s32 $0x3F600, s6;
	s11 =	sadd.s32 s8, s6  }
0xd: {  	s5 =	sadd.s32 $0x17600, s7;
	s6 =	sor.u32 $0x1C03, s31;
	s10 =	smax.u32 s12, $0x1  }
0xe: {  	s12 =	simm.s32 $0x3;
	s7 =	sadd.s32 $0xD600, s9;
	s8 =	sadd.s32 $0x3800, s9  }
0xf: {  	s9 =	sadd.s32 $0x67600, s11;
	s11 =	sshrl.u32 s13, $0x3;
	s13 =	simm.s32 $0x14000  }
.LBB2_1:
0x10: {  	[spmem:s11], [sflag:s6] =	dma.local [hbm:s5], $0x2800  }
0x11: {  	_ =	swait.ge [sflag:s12], $0x2800  }
0x12: {  	[sflag:s12] =	ssyncset.done $0x0  }
0x13: {  	[sflag:s12] =	ssyncadd.s32 $0xFFFFD800  }
0x14: {  	[tilespmem:s13], [sflag:$0x3] =	stream.linear.gather [hbm4b:s7+s3], $0x2710, $0x38;
	[tilespmem:$0x1DF00] =	vst v63  }
0x15: {  	_ =	swait.ge [sflag:s12], $0x2710  }
0x16: {  	[sflag:s12] =	ssyncset.done $0x0  }
0x17: {  	[sflag:s12] =	ssyncadd.s32 $0xFFFFD8F0  }
0x18: {  	[tilespmem:s14], [sflag:$0x3] =	stream.linear.gather [hbm4b:s8+s3], $0x2710, $0x38;
	[tilespmem:$0x1DF00] =	vst v63  }
0x19: {  	_ =	swait.ge [sflag:s12], $0x2710  }
0x1a: {  	[sflag:s12] =	ssyncset.done $0x0  }
0x1b: {  	[sflag:s12] =	ssyncadd.s32 $0xFFFFD8F0  }
0x1c: {  	[bflag:$0x0] =	sbarrier.arrive $0xFFFF  }
0x1d: {  	[tilespmem:s16], [sflag:$0x1] =	stream.indirect.gather [hbm4b:s4+s15], $0x80, s13, s15, $0xb8;
	[tilespmem:$0x1DF00] =	vst v63  }
0x1e: {  	s22 =	simm.s32 $0x14050  }
0x1f: {  	[tilespmem:s17], [sflag:$0x2] =	stream.indirect.gather [hbm4b:s4+s15], $0x80, s22, s15, $0xb8;
	[tilespmem:$0x1DF00] =	vst v63  }
0x20: {  	_ =	swait.ge [sflag:s18], $0x2800  }
0x21: {  	[sflag:s18] =	ssyncset.done $0x0  }
0x22: {  	s29 =	simm.s32 $0x16780;
	[sflag:s18] =	ssyncadd.s32 $0xFFFFD800  }
0x23: {  	[spmem:s2] =	stream.indirect.scatter.add.f32 [tilespmem:s16], [sflag:$0x3], $0x80, s29, s15, $0xb8;
	[tilespmem:$0x1DF00] =	vst v63  }
0x24: {  	_ =	swait.ge [sflag:s12], $0x2800  }
0x25: {  	[sflag:s12] =	ssyncset.done $0x0  }
0x26: {  	s30 =	simm.s32 $0x140A0;
	[sflag:s12] =	ssyncadd.s32 $0xFFFFD800  }
0x27: {  	[tilespmem:s16], [sflag:$0x1] =	stream.indirect.gather [hbm4b:s4+s15], $0x80, s30, s15, $0xb8;
	[tilespmem:$0x1DF00] =	vst v63  }
0x28: {  	_ =	swait.ge [sflag:s19], $0x2800  }
0x29: {  	[sflag:s19] =	ssyncset.done $0x0  }
0x2a: {  	s31 =	simm.s32 $0x167D0;
	[sflag:s19] =	ssyncadd.s32 $0xFFFFD800  }
0x2b: {  	[spmem:s2] =	stream.indirect.scatter.add.f32 [tilespmem:s17], [sflag:$0x3], $0x80, s31, s15, $0xb8;
	[tilespmem:$0x1DF00] =	vst v63  }
0x2c: {  	_ =	swait.ge [sflag:s12], $0x2800  }
0x2d: {  	s23 =	simm.s32 $0x500;
	s22 =	simm.s32 $0xA0;
	[sflag:s12] =	ssyncset.done $0x0  }
.LBB2_2:
0x2e: {  	s24 =	sadd.s32 $0x14050, s22  }
0x2f: {  	[sflag:s12] =	ssyncadd.s32 $0xFFFFD800;
	s25 =	smov.u32 s23;
	s26 =	sadd.s32 $0x280, s23  }
0x30: {  	[tilespmem:s17], [sflag:$0x2] =	stream.indirect.gather [hbm4b:s4+s15], $0x80, s24, s15, $0xb8;
	[tilespmem:$0x1DF00] =	vst v63  }
0x31: {  	p0 =	sne.s32 s23, $0x9880;
	_ =	swait.ge [sflag:s18], $0x2800  }
0x32: {  	[sflag:s18] =	ssyncset.done $0x0  }
0x33: {  	s23 =	sadd.s32 $0x16780, s22;
	[sflag:s18] =	ssyncadd.s32 $0xFFFFD800  }
0x34: {  	[spmem:s2] =	stream.indirect.scatter.add.f32 [tilespmem:s16], [sflag:$0x3], $0x80, s23, s15, $0xb8;
	[tilespmem:$0x1DF00] =	vst v63  }
0x35: {  	_ =	swait.ge [sflag:s12], $0x2800  }
0x36: {  	[sflag:s12] =	ssyncset.done $0x0  }
0x37: {  	s23 =	sadd.s32 $0x140A0, s22;
	[sflag:s12] =	ssyncadd.s32 $0xFFFFD800  }
0x38: {  	[tilespmem:s16], [sflag:$0x1] =	stream.indirect.gather [hbm4b:s4+s15], $0x80, s23, s15, $0xb8;
	[tilespmem:$0x1DF00] =	vst v63  }
0x39: {  	_ =	swait.ge [sflag:s19], $0x2800  }
.Ltmp0:
0x3a: {  	[sflag:s19] =	ssyncset.done $0x0;
	(pc) =	sbr.rel @p0 .LBB2_2-.Ltmp0, $4  }
0x3b: {  	s22 =	sadd.s32 $0x167D0, s22;
	[sflag:s19] =	ssyncadd.s32 $0xFFFFD800  }
0x3c: {  	[spmem:s2] =	stream.indirect.scatter.add.f32 [tilespmem:s17], [sflag:$0x3], $0x80, s22, s15, $0xb8;
	[tilespmem:$0x1DF00] =	vst v63  }
0x3d: {  	_ =	swait.ge [sflag:s12], $0x2800  }
0x3e: {  	s23 =	smov.u32 s26;
	s22 =	sshra.s32 s25, $0x2;
	[sflag:s12] =	ssyncset.done $0x0  }
0x3f: {  	s23 =	sadd.s32 $0x14050, s22;
	[sflag:s12] =	ssyncadd.s32 $0xFFFFD800  }
0x40: {  	[tilespmem:s17], [sflag:$0x2] =	stream.indirect.gather [hbm4b:s4+s15], $0x80, s23, s15, $0xb8;
	[tilespmem:$0x1DF00] =	vst v63  }
0x41: {  	_ =	swait.ge [sflag:s18], $0x2800  }
0x42: {  	[sflag:s18] =	ssyncset.done $0x0  }
0x43: {  	s29 =	sadd.s32 $0x16780, s22;
	[sflag:s18] =	ssyncadd.s32 $0xFFFFD800  }
0x44: {  	[spmem:s2] =	stream.indirect.scatter.add.f32 [tilespmem:s16], [sflag:$0x3], $0x80, s29, s15, $0xb8;
	[tilespmem:$0x1DF00] =	vst v63  }
0x45: {  	_ =	swait.ge [sflag:s12], $0x2800  }
0x46: {  	[sflag:s12] =	ssyncset.done $0x0  }
0x47: {  	s30 =	sadd.s32 $0x140A0, s22;
	[sflag:s12] =	ssyncadd.s32 $0xFFFFD800  }
0x48: {  	[tilespmem:s16], [sflag:$0x1] =	stream.indirect.gather [hbm4b:s4+s15], $0x80, s30, s15, $0xb8;
	[tilespmem:$0x1DF00] =	vst v63  }
0x49: {  	_ =	swait.ge [sflag:s19], $0x2800  }
0x4a: {  	[sflag:s19] =	ssyncset.done $0x0  }
0x4b: {  	s31 =	sadd.s32 $0x167D0, s22;
	[sflag:s19] =	ssyncadd.s32 $0xFFFFD800  }
0x4c: {  	[spmem:s2] =	stream.indirect.scatter.add.f32 [tilespmem:s17], [sflag:$0x3], $0x80, s31, s15, $0xb8;
	[tilespmem:$0x1DF00] =	vst v63  }
0x4d: {  	_ =	swait.ge [sflag:s12], $0x2800  }
0x4e: {  	[sflag:s12] =	ssyncset.done $0x0  }
0x4f: {  	[sflag:s12] =	ssyncadd.s32 $0xFFFFD800  }
0x50: {  	_ =	swait.ge [sflag:s18], $0x2800  }
0x51: {  	[sflag:s18] =	ssyncset.done $0x0  }
0x52: {  	[sflag:s18] =	ssyncadd.s32 $0xFFFFD800  }
0x53: {  	[spmem:s2] =	stream.indirect.scatter.add.f32 [tilespmem:s16], [sflag:$0x3], $0x80, s20, s15, $0xb8;
	[tilespmem:$0x1DF00] =	vst v63  }
0x54: {  	_ =	swait.ge [sflag:s12], $0x2800  }
0x55: {  	s21 =	sadd.s32 $0x1, s21;
	[sflag:s12] =	ssyncset.done $0x0  }
0x56: {  	p0 =	sne.s32 s21, s10;
	[sflag:s12] =	ssyncadd.s32 $0xFFFFD800  }
.Ltmp1:
0x57: {  	[bflag:$0x0] =	sbarrier.arrive $0xFFFF;
	(pc) =	sbr.rel @p0 .LBB2_1-.Ltmp1, $4  }
0x58: {  	[hbm:s9], [sflag:s6] =	dma.local [spmem:s11], $0x2800  }
0x59: {  	_ =	swait.ge [sflag:s12], $0x2800  }
0x5a: {  	[sflag:s12] =	ssyncset.done $0x0  }
0x5b: {  	[sflag:s12] =	ssyncadd.s32 $0xFFFFD800  }
0x5c: {  	_ =	sfence.sel $0x180000  }
0x5d: {  	[bflag:$0x0] =	sbarrier.arrive $0xFFFF  }
0x5e: {  	p0 =	sne.s32 s0, $0x0;
	_ =	strace $0x9000004A  }
0x5f: {  	s0 =	sadd.s32 @!p0 $0x100000, s1;
	[bflag:$0x2] =	sbarrier.arrive $0xFFFF  }
0x60: {  	[sflag:s0] =	ssyncadd.tile.s32 @!p0 $0x1;
	_ =	shalt  }
.Lfunc_end2:
_tile_overlayer_lowered:
.L_overlay_start_2:
0x61: {  	(tag) =	ssettag $0x2  }
0x62: {  	s0 =	rddreg [dreg:$0x0];
	s2 =	stileid.u32  }
0x63: {  	s1 =	rddreg [dreg:$0x1];
	p0 =	sne.s32 s2, $0x0  }
0x64: {  	s3 =	rddreg [dreg:$0x2];
	[bflag:$0x3] =	sbarrier.arrive $0xFFFF;
	s2 =	simm.s32 @!p0 $0x1C03  }
0x65: {  	[timem:s3], [sflag:s2] =	dma.local @!p0 [hbm:s0], s1  }
0x66: {  	s0 =	simm.s32 @!p0 $0x3  }
0x67: {  	_ =	swait.ge @!p0 [sflag:s0], s1  }
0x68: {  	s1 =	ssub.s32 @!p0 $0x0, s1;
	[sflag:s0] =	ssyncset.done @!p0 $0x0  }
0x69: {  	[sflag:s0] =	ssyncadd.s32 @!p0 s1  }
0x6a: {  	[bflag:$0x3] =	sbarrier.arrive $0xFFFF  }
0x6b: {  	_ =	shalt  }

// kernel: kernel.14.cloned.1.call-start
scs
__scs_entry_jumppad:
0x0: {  	(pc) =	sbr.rel $0x88, $3  }
0x1: {  	(tag) =	ssettag $0x0;
	lr =	simm.s32 $0x1  }
0x2: {  	[smem:$0x3F9B] =	sst lr;
	_ =	strace $0xD0000000  }
0x3: {  	_ = 	snop  }
0x4: {  	_ = 	snop  }
0x5: {  	_ = 	snop  }
0x6: {  	_ = 	snop  }
0x7: {  	_ = 	snop  }
__scs_overlays_trampoline_lowered:
0x8: {  	[smem:$0x3FAA] =	sst s0  }
0x9: {  	[smem:$0x3FAB] =	sst s1  }
0xa: {  	[smem:$0x3FAC] =	sst s2  }
0xb: {  	[smem:$0x3FAD] =	sst s3  }
0xc: {  	[smem:$0x3FAE] =	sst s4  }
0xd: {  	[smem:$0x3FAF] =	sst s5  }
0xe: {  	[smem:$0x3FB0] =	sst s6  }
0xf: {  	[smem:$0x3FB1] =	sst s7  }
0x10: {  	[smem:$0x3FB2] =	sst s8  }
0x11: {  	[smem:$0x3FB3] =	sst s9;
	s0 =	simm.s32 @!p0 $0x0  }
0x12: {  	s1 =	sld [smem:$0x3F99];
	s0 =	simm.s32 @p0 $0x1  }
0x13: {  	[smem:$0x3FB4] =	sst s0;
	s0 =	simm.s32 @!p1 $0x0  }
0x14: {  	s2 =	sld [smem:$0x3F98];
	s0 =	simm.s32 @p1 $0x1  }
0x15: {  	[smem:$0x3FB5] =	sst s0;
	s0 =	simm.s32 @!p2 $0x0  }
0x16: {  	s3 =	sld [smem:$0x3FDB];
	s0 =	simm.s32 @p2 $0x1  }
0x17: {  	s4 =	simm.s32 $0x1BF5;
	[smem:$0x3FB7] =	sst s0  }
0x18: {  	s0 =	sld [smem:$0x3F9A];
	_ =	swait.ge [sflag:s4], $0x0  }
0x19: {  	s7 =	sld [smem:$0x3F9B]  }
0x1a: {  	s8 =	sadd.s32 $0xFFFFE003, lr  }
0x1b: {  	s9 =	sadd.s32 $0xFFFFFEF7, lr;
	s5 =	simm.s32 $0xFFFFFFFF;
	p2 =	slt.u32 s8, $0xFFFFF086  }
0x1c: {  	p1 =	slt.u32 s9, $0xF7A;
	s5 =	simm.s32 @!p2 $0x0  }
0x1d: {  	s5 =	simm.s32 @p1 $0x1;
	p0 =	seq.s32 s7, s2  }
0x1e: {  	s7 =	smul.u32 @!p0 $0xF7A, s2;
	p2 =	seq.s32 @!p0 s5, $0x0  }
0x1f: {  	s9 =	smul.u32 $0xF7A, s1;
	s8 =	simm.s32 @!p0 $0x1BF5;
	p2 =	por !p2, p0  }
0x20: {  	[sflag:s8] =	ssyncset.s32 @!p0 $0xFFFFF086;
	s6 =	sadd.s32 @!p0 s3, s7;
	s7 =	simm.s32 @!p0 $0x108  }
0x21: {  	s3 =	sadd.s32 s3, s9;
	s6 =	sadd.s32 @!p0 $0x88, s6;
	s7 =	simm.s32 @p2 $0x1082  }
0x22: {  	[simem:s7], [sflag:s8] =	dma.local @!p0 [hbm:s6], $0xF7A  }
0x23: {  	s9 =	sor.u32 $0xD0000000, s2;
	s6 =	simm.s32 $0x108;
	_ =	swait.ge @!p0 [sflag:s8], $0x0  }
0x24: {  	s3 =	sadd.s32 $0x88, s3;
	s6 =	simm.s32 @!p1 $0x1082;
	[sflag:s4] =	ssyncset.s32 $0xFFFFF086  }
0x25: {  	[simem:s6], [sflag:s4] =	dma.local [hbm:s3], $0xF7A  }
0x26: {  	[smem:$0x3F9B] =	sst s1;
	(tag) =	ssettag s2;
	_ =	strace s9  }
0x27: {  	s1 =	sld [smem:$0x3FAB]  }
0x28: {  	s2 =	sld [smem:$0x3FAC]  }
0x29: {  	s4 =	sld [smem:$0x3FAE]  }
0x2a: {  	p0 =	seq.s32 s5, $0x0;
	s5 =	sld [smem:$0x3FAF]  }
0x2b: {  	s6 =	sld [smem:$0x3FB0]  }
0x2c: {  	s7 =	sld [smem:$0x3FB1]  }
0x2d: {  	s3 =	simm.s32 $0x108;
	s8 =	sld [smem:$0x3FB2]  }
0x2e: {  	s3 =	simm.s32 @!p0 $0x1082;
	s9 =	sld [smem:$0x3FB3]  }
0x2f: {  	lr =	sadd.s32 s0, s3;
	s0 =	sld [smem:$0x3FAA]  }
0x30: {  	s3 =	sld [smem:$0x3FAD]  }
0x31: {  	[smem:$0x3FB6] =	sst s10  }
0x32: {  	s10 =	sld [smem:$0x3FB4];
	_ =	sdelay $0x3  }
0x33: {  	p0 =	seq.s32 s10, $0x1;
	s10 =	sld [smem:$0x3FB6];
	_ =	sdelay $0x3  }
0x34: {  	[smem:$0x3FB6] =	sst s10  }
0x35: {  	s10 =	sld [smem:$0x3FB5];
	_ =	sdelay $0x3  }
0x36: {  	p1 =	seq.s32 s10, $0x1;
	s10 =	sld [smem:$0x3FB6];
	_ =	sdelay $0x3  }
0x37: {  	[smem:$0x3FB6] =	sst s10  }
0x38: {  	s10 =	sld [smem:$0x3FB7]  }
0x39: {  	_ = 	snop;
	(pc) =	sbr.ind lr, $3  }
0x3a: {  	_ = 	snop  }
0x3b: {  	_ = 	snop  }
0x3c: {  	p2 =	seq.s32 s10, $0x1;
	s10 =	sld [smem:$0x3FB6]  }
0x3d: {  	_ =	shalt  }
0x3e: {  	_ =	shalt  }
0x3f: {  	_ =	shalt  }
0x40: {  	_ =	shalt  }
0x41: {  	_ =	shalt  }
0x42: {  	_ =	shalt  }
0x43: {  	_ =	shalt  }
0x44: {  	_ =	shalt  }
0x45: {  	_ =	shalt  }
0x46: {  	_ =	shalt  }
0x47: {  	_ =	shalt  }
0x48: {  	_ =	shalt  }
0x49: {  	_ =	shalt  }
0x4a: {  	_ =	shalt  }
0x4b: {  	_ =	shalt  }
0x4c: {  	_ =	shalt  }
0x4d: {  	_ =	shalt  }
0x4e: {  	_ =	shalt  }
0x4f: {  	_ =	shalt  }
0x50: {  	_ =	shalt  }
0x51: {  	_ =	shalt  }
0x52: {  	_ =	shalt  }
0x53: {  	_ =	shalt  }
0x54: {  	_ =	shalt  }
0x55: {  	_ =	shalt  }
0x56: {  	_ =	shalt  }
0x57: {  	_ =	shalt  }
0x58: {  	_ =	shalt  }
0x59: {  	_ =	shalt  }
0x5a: {  	_ =	shalt  }
0x5b: {  	_ =	shalt  }
0x5c: {  	_ =	shalt  }
0x5d: {  	_ =	shalt  }
0x5e: {  	_ =	shalt  }
0x5f: {  	_ =	shalt  }
0x60: {  	_ =	shalt  }
0x61: {  	_ =	shalt  }
0x62: {  	_ =	shalt  }
0x63: {  	_ =	shalt  }
0x64: {  	_ =	shalt  }
0x65: {  	_ =	shalt  }
0x66: {  	_ =	shalt  }
0x67: {  	_ =	shalt  }
0x68: {  	_ =	shalt  }
0x69: {  	_ =	shalt  }
0x6a: {  	_ =	shalt  }
0x6b: {  	_ =	shalt  }
0x6c: {  	_ =	shalt  }
0x6d: {  	_ =	shalt  }
0x6e: {  	_ =	shalt  }
0x6f: {  	_ =	shalt  }
0x70: {  	_ =	shalt  }
0x71: {  	_ =	shalt  }
0x72: {  	_ =	shalt  }
0x73: {  	_ =	shalt  }
0x74: {  	_ =	shalt  }
0x75: {  	_ =	shalt  }
0x76: {  	_ =	shalt  }
0x77: {  	_ =	shalt  }
0x78: {  	_ =	shalt  }
0x79: {  	_ =	shalt  }
0x7a: {  	_ =	shalt  }
0x7b: {  	_ =	shalt  }
0x7c: {  	_ =	shalt  }
0x7d: {  	_ =	shalt  }
0x7e: {  	_ =	shalt  }
0x7f: {  	_ =	shalt  }
0x80: {  	_ =	shalt  }
0x81: {  	_ =	shalt  }
0x82: {  	_ =	shalt  }
0x83: {  	_ =	shalt  }
0x84: {  	_ =	shalt  }
0x85: {  	_ =	shalt  }
0x86: {  	_ =	shalt  }
0x87: {  	_ =	shalt  }
.Lfunc_end0:
.L_simem_size_0:
called_computation.2_lowered:
.L_overlay_start_0:
0x88: {  	s2 =	sld [smem:$0x3FD9]  }
0x89: {  	s3 =	sld [smem:$0x3FFE];
	_ =	sdelay $0x1  }
0x8a: {  	s1 =	srdreg.scid  }
0x8b: {  	s0 =	sand.u32 $0x1, s1  }
0x8c: {  	s17 =	sshll.u32 s0, $0xA;
	s2 =	sadd.s32 s3, s2  }
0x8d: {  	s2 =	sadd.s32 s2, s17  }
0x8e: {  	[smem:$0x3FC2] =	sst s2  }
0x8f: {  	_ = 	snop  }
0x90: {  	s2 =	sld [smem:$0x3FD0];
	(tm) =	ssettm $0x1  }
0x91: {  	s18 =	sld [smem:$0x3FFB];
	_ =	sdelay $0x3  }
0x92: {  	_ =	strace s18  }
0x93: {  	s3 =	sld [smem:$0x3FFC];
	_ =	sdelay $0x3  }
0x94: {  	_ =	strace s3  }
0x95: {  	s3 =	sld [smem:$0x3FFD];
	_ =	sdelay $0x3  }
0x96: {  	_ =	strace s3  }
0x97: {  	_ =	strace $0x8FFFFFFF  }
0x98: {  	s19 =	sld [smem:$0x3FDB];
	_ =	sdelay $0x1  }
0x99: {  	s4 =	simm.s32 $_scs_section_size  }
0x9a: {  	s5 =	simm.s32 $_size__tile_overlayer_lowered;
	s6 =	simm.s32 $_tile_overlayer_lowered  }
0x9b: {  	s22 =	simm.s32 $0x1BFF;
	s21 =	sshll.u32 s6, $0x1;
	s3 =	sadd.s32 s4, s19  }
0x9c: {  	s7 =	simm.s32 $0x0;
	s20 =	sshll.u32 s5, $0x1;
	s5 =	sadd.s32 s21, s3  }
0x9d: {  	[timem:s7], [sflag:s22] =	dma.local [hbm:s5], s20  }
0x9e: {  	_ =	swait.ge [sflag:s22], s20  }
0x9f: {  	s4 =	ssub.s32 $0x0, s20;
	[sflag:s22] =	ssyncset.done $0x0  }
0xa0: {  	[sflag:s22] =	ssyncadd.s32 s4;
	_ =	sdelay $0x1  }
0xa1: {  	s23 =	simm.s32 $0x1B8B  }
0xa2: {  	_ =	swait.ge [sflag:s23], $0x1  }
0xa3: {  	[sflag:s23] =	ssyncset.done $0x0  }
0xa4: {  	s25 =	simm.s32 $0x1B8E;
	s24 =	sld [smem:$0x3FFE];
	[sflag:s23] =	ssyncadd.s32 $0xFFFFFFFF  }
0xa5: {  	s26 =	simm.s32 $execute0_lowered;
	[smem:$0x3FD2] =	sst s25  }
0xa6: {  	s5 =	sshll.u32 s26, $0x1;
	_ =	strace $0x8000004C;
	[dreg:$0x1] =	wrdreg $0xFFFFFFFF  }
0xa7: {  	s28 =	simm.s32 $_size_execute0_lowered;
	s3 =	sadd.s32 s3, s5;
	[dreg:$0x0] =	wrdreg $0x0  }
0xa8: {  	s5 =	sshll.u32 s28, $0x1;
	[dreg:$0x2] =	wrdreg s3  }
0xa9: {  	[dreg:$0x3] =	wrdreg s5  }
0xaa: {  	[dreg:$0x4] =	wrdreg $0xC0  }
0xab: {  	_ =	task [dreg:s7], $0x5FFFF  }
0xac: {  	[dreg:$0x1] =	wrdreg $0xFFFFFFFF  }
0xad: {  	[dreg:$0x0] =	wrdreg $0x60  }
0xae: {  	[dreg:$0x2] =	wrdreg s24  }
0xaf: {  	[dreg:$0x3] =	wrdreg s2  }
0xb0: {  	[dreg:$0x4] =	wrdreg $0x9  }
0xb1: {  	_ =	task.clear_ibuf [dreg:s7], $0x5FFFF;
	_ =	strace $0x9000004C  }
0xb2: {  	s29 =	simm.s32 $0x9;
	_ =	strace $0x8000004E  }
0xb3: {  	_ =	swait.ge [sflag:s29], $0x1  }
0xb4: {  	[sflag:s29] =	ssyncadd.s32 $0xFFFFFFFF  }
0xb5: {  	_ =	strace $0x9000004E  }
0xb6: {  	_ =	sfence  }
0xb7: {  	s30 =	sld [smem:$0x0];
	_ =	sdelay $0x2  }
0xb8: {  	s31 =	sshll.u32 s1, $0xD;
	s1 =	sshrl.u32 s1, $0x2  }
0xb9: {  	s3 =	sand.u32 $0x4000, s31;
	s1 =	sadd.s32 s1, s30  }
0xba: {  	s0 =	sor.u32 s3, s0;
	s1 =	sshll.u32 s1, $0x11  }
0xbb: {  	s0 =	sor.u32 s1, s0  }
0xbc: {  	s0 =	sadd.s32 $0x8F2B, s0  }
0xbd: {  	[sflag:s0] =	ssyncadd.remote.s32 $0x1  }
0xbe: {  	_ =	sfence.sel $0xFFFF  }
0xbf: {  	[dreg:$0x0] =	wrdreg $0xFFFFFFFF;
	(pc) =	sbr.abs _section_cstart, $3  }
0xc0: {  	[dreg:$0x1] =	wrdreg $0xFFFFFFFF  }
0xc1: {  	_ =	task.clear_ibuf [dreg:s7], $0x2FFFF;
	_ =	strace $0x9FFFFFFF  }
0xc2: {  	(tm) =	ssettm $0x7FFFFFFF  }
0xc3: {  	_ =	shalt  }
tec
execute0_lowered:
.L_overlay_start_1:
0x0: {  	(tag) =	ssettag $0x1  }
0x1: {  	s7 =	rddreg [dreg:$0x0]  }
0x2: {  	s1 =	rddreg [dreg:$0x1]  }
0x3: {  	s0 =	rddreg [dreg:$0x2]  }
0x4: {  	s2 =	simm.s32 $0x0;
	s3 =	srdreg.scid;
	s12 =	simm.s32 $0xA000  }
0x5: {  	s13 =	simm.s32 $0xA800;
	s14 =	simm.s32 $0xB000;
	s15 =	simm.s32 $0xB7D0  }
0x6: {  	s16 =	simm.s32 $0x0;
	[smem:$0x7FF] =	sst s2;
	s4 =	sadd.s32 $0x3800, s7  }
0x7: {  	s8 =	sand.u32 $0x1, s3;
	s5 =	sadd.s32 $0x4200, s7;
	s3 =	stileid.u32  }
0x8: {  	s6 =	sadd.s32 $0xB7600, s7;
	s7 =	sadd.s32 $0x4C00, s7;
	s9 =	ssub.s32 $0x2, s8  }
0x9: {  	_ =	strace $0x8000004D;
	s11 =	sshll.u32 s3, $0x1;
	s10 =	sshrl.u32 s9, $0x1  }
0xa: {  	v0 =	vlaneseq.u32;
	s8 =	sor.u32 s8, s11;
	s11 =	simm.s32 $0x5000;
	s9 =	ssub.s32 s9, s10  }
0xb: {  	v1 =	vor.u32 $0x7D0, v0;
	s8 =	smul.u32 $0x4E20, s8;
	s10 =	simm.s32 $0x1;
	s9 =	smax.u32 s9, $0x1  }
.LBB2_1:
0xc: {  	[tilespmem:s2], [sflag:$0x1] =	stream.linear.gather [hbm4b:s4+s2], $0x5000, $0x38;
	[tilespmem:$0xC000] =	vst v63  }
0xd: {  	_ =	swait.ge [sflag:s10], $0x5000  }
0xe: {  	[sflag:s10] =	ssyncset.done $0x0  }
0xf: {  	[sflag:s10] =	ssyncadd.s32 $0xFFFFB000  }
0x10: {  	[tilespmem:s11], [sflag:$0x1] =	stream.linear.gather [hbm4b:s5+s2], $0x5000, $0x38;
	[tilespmem:$0xC000] =	vst v63  }
0x11: {  	_ =	swait.ge [sflag:s10], $0x5000  }
0x12: {  	[sflag:s10] =	ssyncset.done $0x0  }
0x13: {  	s17 =	simm.s32 $0x0;
	[sflag:s10] =	ssyncadd.s32 $0xFFFFB000  }
.LBB2_2:
0x14: {  	s18 =	smul.u32 $0x7D0, s17;
	_ =	sdelay $0x1  }
0x15: {  	s18 =	sadd.s32 s8, s18  }
0x16: {  	s18 =	sshrl.u32 s18, $0x3  }
0x17: {  	s19 =	simm.s32 $0x0;
	s20 =	sadd.s32 s1, s18  }
0x18: {  	[tilespmem:s12], [sflag:$0x1] =	stream.linear.gather [hbm4b:s20+s19], $0x7D0, $0x38;
	[tilespmem:$0xC000] =	vst v63  }
0x19: {  	_ =	swait.ge [sflag:s10], $0x7D0  }
0x1a: {  	[sflag:s10] =	ssyncset.done $0x0  }
0x1b: {  	s31 =	sadd.s32 s6, s18;
	[sflag:s10] =	ssyncadd.s32 $0xFFFFF830  }
0x1c: {  	[tilespmem:s13], [sflag:$0x1] =	stream.linear.gather [hbm4b:s31+s19], $0x7D0, $0x38;
	[tilespmem:$0xC000] =	vst v63  }
0x1d: {  	_ =	swait.ge [sflag:s10], $0x7D0  }
0x1e: {  	[sflag:s10] =	ssyncset.done $0x0  }
0x1f: {  	s21 =	simm.s32 $0xA020;
	s20 =	simm.s32 $0xA820;
	[sflag:s10] =	ssyncadd.s32 $0xFFFFF830  }
.LBB2_3:
0x20: {  	v2 =	vld [tilespmem:s21+$0xFFFFFFE0]  }
0x21: {  	v3 =	vld [tilespmem:s20+$0xFFFFFFE0];
	_ =	sdelay $0x3  }
0x22: {  	v2 =	vshll.u32 v2, $0x1  }
0x23: {  	v3 =	vshll.u32 v3, $0x1  }
0x24: {  	v4 =	vor.u32 $0x1, v2  }
0x25: {  	v5 =	vor.u32 $0x1, v3;
	_ =	sdelay $0x1  }
0x26: {  	v2 =	vld.idx.msk [tilespmem:v2+s2+$0x0], $0xffff  }
0x27: {  	v3 =	vld.idx.msk [tilespmem:v3+s11+$0x0], $0xffff  }
0x28: {  	v4 =	vld.idx.msk [tilespmem:v4+s2+$0x0], $0xffff  }
0x29: {  	v5 =	vld.idx.msk [tilespmem:v5+s11+$0x0], $0xffff  }
0x2a: {  	v6 =	vor.u32 s19, v0  }
0x2b: {  	v7 =	vadd.s32 s19, v1;
	_ =	sdelay $0x1  }
0x2c: {  	v2 =	vadd.f32 v3, v2  }
0x2d: {  	v3 =	vadd.f32 v5, v4  }
0x2e: {  	[tilespmem:v6+s14+$0x0] =	vst.idx.msk $0xffff, v2  }
0x2f: {  	[tilespmem:v7+s14+$0x0] =	vst.idx.msk $0xffff, v3  }
0x30: {  	v2 =	vld [tilespmem:s21+$0xFFFFFFF0]  }
0x31: {  	v3 =	vld [tilespmem:s20+$0xFFFFFFF0];
	_ =	sdelay $0x3  }
0x32: {  	v2 =	vshll.u32 v2, $0x1  }
0x33: {  	v3 =	vshll.u32 v3, $0x1  }
0x34: {  	v48 =	vor.u32 $0x1, v2  }
0x35: {  	v49 =	vor.u32 $0x1, v3;
	_ =	sdelay $0x1  }
0x36: {  	v2 =	vld.idx.msk [tilespmem:v2+s2+$0x0], $0xffff  }
0x37: {  	v3 =	vld.idx.msk [tilespmem:v3+s11+$0x0], $0xffff  }
0x38: {  	v4 =	vld.idx.msk [tilespmem:v48+s2+$0x0], $0xffff  }
0x39: {  	s22 =	sadd.s32 $0x10, s19;
	v5 =	vld.idx.msk [tilespmem:v49+s11+$0x0], $0xffff  }
0x3a: {  	v50 =	vor.u32 s22, v0  }
0x3b: {  	v51 =	vadd.s32 s22, v1;
	_ =	sdelay $0x1  }
0x3c: {  	v2 =	vadd.f32 v3, v2  }
0x3d: {  	v3 =	vadd.f32 v5, v4  }
0x3e: {  	[tilespmem:v50+s14+$0x0] =	vst.idx.msk $0xffff, v2  }
0x3f: {  	[tilespmem:v51+s14+$0x0] =	vst.idx.msk $0xffff, v3  }
0x40: {  	v2 =	vld [tilespmem:s21+$0x0]  }
0x41: {  	v3 =	vld [tilespmem:s20+$0x0];
	_ =	sdelay $0x3  }
0x42: {  	v2 =	vshll.u32 v2, $0x1  }
0x43: {  	v3 =	vshll.u32 v3, $0x1  }
0x44: {  	v52 =	vor.u32 $0x1, v2  }
0x45: {  	v53 =	vor.u32 $0x1, v3;
	_ =	sdelay $0x1  }
0x46: {  	v2 =	vld.idx.msk [tilespmem:v2+s2+$0x0], $0xffff  }
0x47: {  	v3 =	vld.idx.msk [tilespmem:v3+s11+$0x0], $0xffff  }
0x48: {  	v4 =	vld.idx.msk [tilespmem:v52+s2+$0x0], $0xffff  }
0x49: {  	s29 =	sadd.s32 $0x20, s19;
	v5 =	vld.idx.msk [tilespmem:v53+s11+$0x0], $0xffff  }
0x4a: {  	v54 =	vor.u32 s29, v0  }
0x4b: {  	v55 =	vadd.s32 s29, v1;
	_ =	sdelay $0x1  }
0x4c: {  	v2 =	vadd.f32 v3, v2  }
0x4d: {  	v3 =	vadd.f32 v5, v4  }
0x4e: {  	[tilespmem:v54+s14+$0x0] =	vst.idx.msk $0xffff, v2  }
0x4f: {  	[tilespmem:v55+s14+$0x0] =	vst.idx.msk $0xffff, v3  }
0x50: {  	v2 =	vld [tilespmem:s21+$0x10]  }
0x51: {  	v3 =	vld [tilespmem:s20+$0x10];
	_ =	sdelay $0x3  }
0x52: {  	v2 =	vshll.u32 v2, $0x1  }
0x53: {  	v3 =	vshll.u32 v3, $0x1  }
0x54: {  	v56 =	vor.u32 $0x1, v2  }
0x55: {  	v57 =	vor.u32 $0x1, v3;
	_ =	sdelay $0x1  }
0x56: {  	v2 =	vld.idx.msk [tilespmem:v2+s2+$0x0], $0xffff  }
0x57: {  	v3 =	vld.idx.msk [tilespmem:v3+s11+$0x0], $0xffff  }
0x58: {  	v4 =	vld.idx.msk [tilespmem:v56+s2+$0x0], $0xffff  }
0x59: {  	s30 =	sadd.s32 $0x30, s19;
	v5 =	vld.idx.msk [tilespmem:v57+s11+$0x0], $0xffff  }
0x5a: {  	v58 =	vor.u32 s30, v0  }
0x5b: {  	v59 =	vadd.s32 s30, v1;
	_ =	sdelay $0x1  }
0x5c: {  	v2 =	vadd.f32 v3, v2  }
0x5d: {  	v3 =	vadd.f32 v5, v4  }
0x5e: {  	[tilespmem:v58+s14+$0x0] =	vst.idx.msk $0xffff, v2  }
0x5f: {  	[tilespmem:v59+s14+$0x0] =	vst.idx.msk $0xffff, v3  }
0x60: {  	v2 =	vld [tilespmem:s21+$0x20]  }
0x61: {  	v3 =	vld [tilespmem:s20+$0x20];
	_ =	sdelay $0x3  }
0x62: {  	v2 =	vshll.u32 v2, $0x1  }
0x63: {  	v3 =	vshll.u32 v3, $0x1  }
0x64: {  	v60 =	vor.u32 $0x1, v2  }
0x65: {  	v61 =	vor.u32 $0x1, v3;
	_ =	sdelay $0x1  }
0x66: {  	v2 =	vld.idx.msk [tilespmem:v2+s2+$0x0], $0xffff  }
0x67: {  	v3 =	vld.idx.msk [tilespmem:v3+s11+$0x0], $0xffff  }
0x68: {  	v4 =	vld.idx.msk [tilespmem:v60+s2+$0x0], $0xffff  }
0x69: {  	s31 =	sadd.s32 $0x40, s19;
	v5 =	vld.idx.msk [tilespmem:v61+s11+$0x0], $0xffff  }
0x6a: {  	v62 =	vor.u32 s31, v0  }
0x6b: {  	p0 =	sne.s32 s19, $0x780;
	v63 =	vadd.s32 s31, v1  }
.Ltmp0:
0x6c: {  	_ = 	snop;
	(pc) =	sbr.rel @p0 .LBB2_3-.Ltmp0, $4  }
0x6d: {  	v2 =	vadd.f32 v3, v2  }
0x6e: {  	v3 =	vadd.f32 v5, v4  }
0x6f: {  	[tilespmem:v62+s14+$0x0] =	vst.idx.msk $0xffff, v2  }
0x70: {  	s19 =	sadd.s32 $0x50, s19;
	s20 =	sadd.s32 $0x50, s20;
	s21 =	sadd.s32 $0x50, s21;
	[tilespmem:v63+s14+$0x0] =	vst.idx.msk $0xffff, v3  }
0x71: {  	s18 =	sadd.s32 s7, s18  }
0x72: {  	[hbm4b:s18+s2] =	stream.linear.scatter [tilespmem:s14], [sflag:$0x1], $0x7D0, $0x38;
	[tilespmem:$0xC000] =	vst v63  }
0x73: {  	s17 =	sadd.s32 $0x1, s17;
	_ =	swait.ge [sflag:s10], $0x7D0  }
0x74: {  	p0 =	sne.s32 s17, $0xA;
	[sflag:s10] =	ssyncset.done $0x0  }
.Ltmp1:
0x75: {  	s18 =	sadd.s32 $0x13880, s18;
	[sflag:s10] =	ssyncadd.s32 $0xFFFFF830;
	(pc) =	sbr.rel @p0 .LBB2_2-.Ltmp1, $4  }
0x76: {  	[hbm4b:s18+s2] =	stream.linear.scatter [tilespmem:s15], [sflag:$0x1], $0x7D0, $0x38;
	[tilespmem:$0xC000] =	vst v63  }
0x77: {  	_ =	swait.ge [sflag:s10], $0x7D0  }
0x78: {  	[sflag:s10] =	ssyncset.done $0x0  }
0x79: {  	[sflag:s10] =	ssyncadd.s32 $0xFFFFF830  }
0x7a: {  	s16 =	sadd.s32 $0x1, s16  }
0x7b: {  	p0 =	sne.s32 s16, s9  }
.Ltmp2:
0x7c: {  	_ = 	snop;
	(pc) =	sbr.rel @p0 .LBB2_1-.Ltmp2, $1  }
0x7d: {  	_ =	sdelay $0x3  }
0x7e: {  	_ =	sfence.sel $0x180000  }
0x7f: {  	[bflag:$0x0] =	sbarrier.arrive $0xFFFF  }
0x80: {  	p0 =	sne.s32 s3, $0x0;
	_ =	strace $0x9000004D  }
0x81: {  	s0 =	sadd.s32 @!p0 $0x100000, s0;
	[bflag:$0x2] =	sbarrier.arrive $0xFFFF  }
0x82: {  	[sflag:s0] =	ssyncadd.tile.s32 @!p0 $0x1;
	_ =	shalt  }
.Lfunc_end2:
_tile_overlayer_lowered:
.L_overlay_start_2:
0x83: {  	(tag) =	ssettag $0x2  }
0x84: {  	s0 =	rddreg [dreg:$0x0];
	s2 =	stileid.u32  }
0x85: {  	s1 =	rddreg [dreg:$0x1];
	p0 =	sne.s32 s2, $0x0  }
0x86: {  	s3 =	rddreg [dreg:$0x2];
	[bflag:$0x3] =	sbarrier.arrive $0xFFFF;
	s2 =	simm.s32 @!p0 $0x1C01  }
0x87: {  	[timem:s3], [sflag:s2] =	dma.local @!p0 [hbm:s0], s1  }
0x88: {  	s0 =	simm.s32 @!p0 $0x1  }
0x89: {  	_ =	swait.ge @!p0 [sflag:s0], s1  }
0x8a: {  	s1 =	ssub.s32 @!p0 $0x0, s1;
	[sflag:s0] =	ssyncset.done @!p0 $0x0  }
0x8b: {  	[sflag:s0] =	ssyncadd.s32 @!p0 s1  }
0x8c: {  	[bflag:$0x3] =	sbarrier.arrive $0xFFFF  }
0x8d: {  	_ =	shalt  }

// kernel: kernel.8.cloned.1.call-start
scs
__scs_entry_jumppad:
0x0: {  	(pc) =	sbr.rel $0x88, $3  }
0x1: {  	(tag) =	ssettag $0x0;
	lr =	simm.s32 $0x1  }
0x2: {  	[smem:$0x3F9B] =	sst lr;
	_ =	strace $0xD0000000  }
0x3: {  	_ = 	snop  }
0x4: {  	_ = 	snop  }
0x5: {  	_ = 	snop  }
0x6: {  	_ = 	snop  }
0x7: {  	_ = 	snop  }
__scs_overlays_trampoline_lowered:
0x8: {  	[smem:$0x3FAA] =	sst s0  }
0x9: {  	[smem:$0x3FAB] =	sst s1  }
0xa: {  	[smem:$0x3FAC] =	sst s2  }
0xb: {  	[smem:$0x3FAD] =	sst s3  }
0xc: {  	[smem:$0x3FAE] =	sst s4  }
0xd: {  	[smem:$0x3FAF] =	sst s5  }
0xe: {  	[smem:$0x3FB0] =	sst s6  }
0xf: {  	[smem:$0x3FB1] =	sst s7  }
0x10: {  	[smem:$0x3FB2] =	sst s8  }
0x11: {  	[smem:$0x3FB3] =	sst s9;
	s0 =	simm.s32 @!p0 $0x0  }
0x12: {  	s1 =	sld [smem:$0x3F99];
	s0 =	simm.s32 @p0 $0x1  }
0x13: {  	[smem:$0x3FB4] =	sst s0;
	s0 =	simm.s32 @!p1 $0x0  }
0x14: {  	s2 =	sld [smem:$0x3F98];
	s0 =	simm.s32 @p1 $0x1  }
0x15: {  	[smem:$0x3FB5] =	sst s0;
	s0 =	simm.s32 @!p2 $0x0  }
0x16: {  	s3 =	sld [smem:$0x3FDB];
	s0 =	simm.s32 @p2 $0x1  }
0x17: {  	s4 =	simm.s32 $0x1BF5;
	[smem:$0x3FB7] =	sst s0  }
0x18: {  	s0 =	sld [smem:$0x3F9A];
	_ =	swait.ge [sflag:s4], $0x0  }
0x19: {  	s7 =	sld [smem:$0x3F9B]  }
0x1a: {  	s8 =	sadd.s32 $0xFFFFE003, lr  }
0x1b: {  	s9 =	sadd.s32 $0xFFFFFEF7, lr;
	s5 =	simm.s32 $0xFFFFFFFF;
	p2 =	slt.u32 s8, $0xFFFFF086  }
0x1c: {  	p1 =	slt.u32 s9, $0xF7A;
	s5 =	simm.s32 @!p2 $0x0  }
0x1d: {  	s5 =	simm.s32 @p1 $0x1;
	p0 =	seq.s32 s7, s2  }
0x1e: {  	s7 =	smul.u32 @!p0 $0xF7A, s2;
	p2 =	seq.s32 @!p0 s5, $0x0  }
0x1f: {  	s9 =	smul.u32 $0xF7A, s1;
	s8 =	simm.s32 @!p0 $0x1BF5;
	p2 =	por !p2, p0  }
0x20: {  	[sflag:s8] =	ssyncset.s32 @!p0 $0xFFFFF086;
	s6 =	sadd.s32 @!p0 s3, s7;
	s7 =	simm.s32 @!p0 $0x108  }
0x21: {  	s3 =	sadd.s32 s3, s9;
	s6 =	sadd.s32 @!p0 $0x88, s6;
	s7 =	simm.s32 @p2 $0x1082  }
0x22: {  	[simem:s7], [sflag:s8] =	dma.local @!p0 [hbm:s6], $0xF7A  }
0x23: {  	s9 =	sor.u32 $0xD0000000, s2;
	s6 =	simm.s32 $0x108;
	_ =	swait.ge @!p0 [sflag:s8], $0x0  }
0x24: {  	s3 =	sadd.s32 $0x88, s3;
	s6 =	simm.s32 @!p1 $0x1082;
	[sflag:s4] =	ssyncset.s32 $0xFFFFF086  }
0x25: {  	[simem:s6], [sflag:s4] =	dma.local [hbm:s3], $0xF7A  }
0x26: {  	[smem:$0x3F9B] =	sst s1;
	(tag) =	ssettag s2;
	_ =	strace s9  }
0x27: {  	s1 =	sld [smem:$0x3FAB]  }
0x28: {  	s2 =	sld [smem:$0x3FAC]  }
0x29: {  	s4 =	sld [smem:$0x3FAE]  }
0x2a: {  	p0 =	seq.s32 s5, $0x0;
	s5 =	sld [smem:$0x3FAF]  }
0x2b: {  	s6 =	sld [smem:$0x3FB0]  }
0x2c: {  	s7 =	sld [smem:$0x3FB1]  }
0x2d: {  	s3 =	simm.s32 $0x108;
	s8 =	sld [smem:$0x3FB2]  }
0x2e: {  	s3 =	simm.s32 @!p0 $0x1082;
	s9 =	sld [smem:$0x3FB3]  }
0x2f: {  	lr =	sadd.s32 s0, s3;
	s0 =	sld [smem:$0x3FAA]  }
0x30: {  	s3 =	sld [smem:$0x3FAD]  }
0x31: {  	[smem:$0x3FB6] =	sst s10  }
0x32: {  	s10 =	sld [smem:$0x3FB4];
	_ =	sdelay $0x3  }
0x33: {  	p0 =	seq.s32 s10, $0x1;
	s10 =	sld [smem:$0x3FB6];
	_ =	sdelay $0x3  }
0x34: {  	[smem:$0x3FB6] =	sst s10  }
0x35: {  	s10 =	sld [smem:$0x3FB5];
	_ =	sdelay $0x3  }
0x36: {  	p1 =	seq.s32 s10, $0x1;
	s10 =	sld [smem:$0x3FB6];
	_ =	sdelay $0x3  }
0x37: {  	[smem:$0x3FB6] =	sst s10  }
0x38: {  	s10 =	sld [smem:$0x3FB7]  }
0x39: {  	_ = 	snop;
	(pc) =	sbr.ind lr, $3  }
0x3a: {  	_ = 	snop  }
0x3b: {  	_ = 	snop  }
0x3c: {  	p2 =	seq.s32 s10, $0x1;
	s10 =	sld [smem:$0x3FB6]  }
0x3d: {  	_ =	shalt  }
0x3e: {  	_ =	shalt  }
0x3f: {  	_ =	shalt  }
0x40: {  	_ =	shalt  }
0x41: {  	_ =	shalt  }
0x42: {  	_ =	shalt  }
0x43: {  	_ =	shalt  }
0x44: {  	_ =	shalt  }
0x45: {  	_ =	shalt  }
0x46: {  	_ =	shalt  }
0x47: {  	_ =	shalt  }
0x48: {  	_ =	shalt  }
0x49: {  	_ =	shalt  }
0x4a: {  	_ =	shalt  }
0x4b: {  	_ =	shalt  }
0x4c: {  	_ =	shalt  }
0x4d: {  	_ =	shalt  }
0x4e: {  	_ =	shalt  }
0x4f: {  	_ =	shalt  }
0x50: {  	_ =	shalt  }
0x51: {  	_ =	shalt  }
0x52: {  	_ =	shalt  }
0x53: {  	_ =	shalt  }
0x54: {  	_ =	shalt  }
0x55: {  	_ =	shalt  }
0x56: {  	_ =	shalt  }
0x57: {  	_ =	shalt  }
0x58: {  	_ =	shalt  }
0x59: {  	_ =	shalt  }
0x5a: {  	_ =	shalt  }
0x5b: {  	_ =	shalt  }
0x5c: {  	_ =	shalt  }
0x5d: {  	_ =	shalt  }
0x5e: {  	_ =	shalt  }
0x5f: {  	_ =	shalt  }
0x60: {  	_ =	shalt  }
0x61: {  	_ =	shalt  }
0x62: {  	_ =	shalt  }
0x63: {  	_ =	shalt  }
0x64: {  	_ =	shalt  }
0x65: {  	_ =	shalt  }
0x66: {  	_ =	shalt  }
0x67: {  	_ =	shalt  }
0x68: {  	_ =	shalt  }
0x69: {  	_ =	shalt  }
0x6a: {  	_ =	shalt  }
0x6b: {  	_ =	shalt  }
0x6c: {  	_ =	shalt  }
0x6d: {  	_ =	shalt  }
0x6e: {  	_ =	shalt  }
0x6f: {  	_ =	shalt  }
0x70: {  	_ =	shalt  }
0x71: {  	_ =	shalt  }
0x72: {  	_ =	shalt  }
0x73: {  	_ =	shalt  }
0x74: {  	_ =	shalt  }
0x75: {  	_ =	shalt  }
0x76: {  	_ =	shalt  }
0x77: {  	_ =	shalt  }
0x78: {  	_ =	shalt  }
0x79: {  	_ =	shalt  }
0x7a: {  	_ =	shalt  }
0x7b: {  	_ =	shalt  }
0x7c: {  	_ =	shalt  }
0x7d: {  	_ =	shalt  }
0x7e: {  	_ =	shalt  }
0x7f: {  	_ =	shalt  }
0x80: {  	_ =	shalt  }
0x81: {  	_ =	shalt  }
0x82: {  	_ =	shalt  }
0x83: {  	_ =	shalt  }
0x84: {  	_ =	shalt  }
0x85: {  	_ =	shalt  }
0x86: {  	_ =	shalt  }
0x87: {  	_ =	shalt  }
.Lfunc_end0:
.L_simem_size_0:
called_computation_lowered:
.L_overlay_start_0:
0x88: {  	s2 =	sld [smem:$0x3FD9]  }
0x89: {  	s3 =	sld [smem:$0x3FFE];
	_ =	sdelay $0x1  }
0x8a: {  	s1 =	srdreg.scid  }
0x8b: {  	s0 =	sand.u32 $0x1, s1  }
0x8c: {  	s17 =	sshll.u32 s0, $0xA;
	s2 =	sadd.s32 s3, s2  }
0x8d: {  	s2 =	sadd.s32 s2, s17  }
0x8e: {  	[smem:$0x3FC2] =	sst s2  }
0x8f: {  	_ = 	snop  }
0x90: {  	s2 =	sld [smem:$0x3FD0];
	(tm) =	ssettm $0x1  }
0x91: {  	s18 =	sld [smem:$0x3FFB];
	_ =	sdelay $0x3  }
0x92: {  	_ =	strace s18  }
0x93: {  	s3 =	sld [smem:$0x3FFC];
	_ =	sdelay $0x3  }
0x94: {  	_ =	strace s3  }
0x95: {  	s3 =	sld [smem:$0x3FFD];
	_ =	sdelay $0x3  }
0x96: {  	_ =	strace s3  }
0x97: {  	_ =	strace $0x8FFFFFFF  }
0x98: {  	s19 =	sld [smem:$0x3FDB];
	_ =	sdelay $0x1  }
0x99: {  	s4 =	simm.s32 $_scs_section_size  }
0x9a: {  	s5 =	simm.s32 $_size__tile_overlayer_lowered;
	s6 =	simm.s32 $_tile_overlayer_lowered  }
0x9b: {  	s22 =	simm.s32 $0x1BFF;
	s21 =	sshll.u32 s6, $0x1;
	s3 =	sadd.s32 s4, s19  }
0x9c: {  	s7 =	simm.s32 $0x0;
	s20 =	sshll.u32 s5, $0x1;
	s5 =	sadd.s32 s21, s3  }
0x9d: {  	[timem:s7], [sflag:s22] =	dma.local [hbm:s5], s20  }
0x9e: {  	_ =	swait.ge [sflag:s22], s20  }
0x9f: {  	s4 =	ssub.s32 $0x0, s20;
	[sflag:s22] =	ssyncset.done $0x0  }
0xa0: {  	[sflag:s22] =	ssyncadd.s32 s4;
	_ =	sdelay $0x1  }
0xa1: {  	s23 =	simm.s32 $0x1B8B  }
0xa2: {  	_ =	swait.ge [sflag:s23], $0x1  }
0xa3: {  	[sflag:s23] =	ssyncset.done $0x0  }
0xa4: {  	s25 =	simm.s32 $0x1B8E;
	s24 =	sld [smem:$0x3FFE];
	[sflag:s23] =	ssyncadd.s32 $0xFFFFFFFF  }
0xa5: {  	s26 =	simm.s32 $execute0_lowered;
	[smem:$0x3FD2] =	sst s25  }
0xa6: {  	s5 =	sshll.u32 s26, $0x1;
	_ =	strace $0x80000046;
	[dreg:$0x1] =	wrdreg $0xFFFFFFFF  }
0xa7: {  	s28 =	simm.s32 $_size_execute0_lowered;
	s3 =	sadd.s32 s3, s5;
	[dreg:$0x0] =	wrdreg $0x0  }
0xa8: {  	s5 =	sshll.u32 s28, $0x1;
	[dreg:$0x2] =	wrdreg s3  }
0xa9: {  	[dreg:$0x3] =	wrdreg s5  }
0xaa: {  	[dreg:$0x4] =	wrdreg $0xC0  }
0xab: {  	_ =	task [dreg:s7], $0x5FFFF  }
0xac: {  	[dreg:$0x1] =	wrdreg $0xFFFFFFFF  }
0xad: {  	[dreg:$0x0] =	wrdreg $0x60  }
0xae: {  	[dreg:$0x2] =	wrdreg s24  }
0xaf: {  	[dreg:$0x3] =	wrdreg s2  }
0xb0: {  	[dreg:$0x4] =	wrdreg $0x0  }
0xb1: {  	[dreg:$0x5] =	wrdreg $0x9  }
0xb2: {  	_ =	task.clear_ibuf [dreg:s7], $0x6FFFF;
	_ =	strace $0x90000046  }
0xb3: {  	s29 =	simm.s32 $0x9;
	_ =	strace $0x80000048  }
0xb4: {  	_ =	swait.ge [sflag:s29], $0x1  }
0xb5: {  	[sflag:s29] =	ssyncadd.s32 $0xFFFFFFFF  }
0xb6: {  	_ =	strace $0x90000048  }
0xb7: {  	_ =	sfence  }
0xb8: {  	s30 =	sld [smem:$0x0];
	_ =	sdelay $0x2  }
0xb9: {  	s31 =	sshll.u32 s1, $0xD;
	s1 =	sshrl.u32 s1, $0x2  }
0xba: {  	s3 =	sand.u32 $0x4000, s31;
	s1 =	sadd.s32 s1, s30  }
0xbb: {  	s0 =	sor.u32 s3, s0;
	s1 =	sshll.u32 s1, $0x11  }
0xbc: {  	s0 =	sor.u32 s1, s0  }
0xbd: {  	s0 =	sadd.s32 $0x8F2B, s0  }
0xbe: {  	[sflag:s0] =	ssyncadd.remote.s32 $0x1  }
0xbf: {  	_ =	sfence.sel $0xFFFF  }
0xc0: {  	[dreg:$0x0] =	wrdreg $0xFFFFFFFF;
	(pc) =	sbr.abs _section_cstart, $3  }
0xc1: {  	[dreg:$0x1] =	wrdreg $0xFFFFFFFF  }
0xc2: {  	_ =	task.clear_ibuf [dreg:s7], $0x2FFFF;
	_ =	strace $0x9FFFFFFF  }
0xc3: {  	(tm) =	ssettm $0x7FFFFFFF  }
tec
execute0_lowered:
.L_overlay_start_1:
0x0: {  	(tag) =	ssettag $0x1  }
0x1: {  	s4 =	rddreg [dreg:$0x0]  }
0x2: {  	s6 =	rddreg [dreg:$0x1]  }
0x3: {  	s0 =	srdreg.scid;
	s7 =	stileid.u32  }
0x4: {  	s1 =	rddreg [dreg:$0x2];
	s2 =	simm.s32 $0x0;
	s12 =	simm.s32 $0x5200  }
0x5: {  	s13 =	simm.s32 $0x50;
	s5 =	sand.u32 $0x1, s0;
	s0 =	rddreg [dreg:$0x3]  }
0x6: {  	s14 =	simm.s32 $0x0;
	s3 =	sshll.u32 s7, $0x1;
	[smem:$0x7FF] =	sst s2  }
0x7: {  	s3 =	sor.u32 s5, s3;
	s9 =	ssub.s32 $0x2, s5;
	s11 =	smul.u32 $0x500, s5  }
0x8: {  	p0 =	sne.s32 s7, $0x0;
	s3 =	smul.u32 $0x4E2, s3;
	s10 =	sshrl.u32 s9, $0x1  }
0x9: {  	_ =	strace $0x80000047;
	s9 =	ssub.s32 s9, s10;
	s6 =	sadd.s32 s6, s11  }
0xa: {  	s10 =	simm.s32 $0x1;
	s11 =	simm.s32 $0x2A80;
	s8 =	sadd.s32 s3, s4  }
0xb: {  	s3 =	sadd.s32 $0x17600, s4;
	s4 =	sadd.s32 $0x17400, s4;
	s7 =	smax.u32 s9, $0x1  }
0xc: {  	v0 =	vimm.f32 $1.000000000e+00;
	s9 =	simm.s32 $0x280;
	s5 =	sadd.s32 $0x3800, s8;
	s8 =	sshrl.u32 @!p0 s1, $0x3  }
.LBB2_1:
0xd: {  	s15 =	simm.s32 @!p0 $0x1C01  }
0xe: {  	[spmem:s8], [sflag:s15] =	dma.local @!p0 [hbm:s3], $0x500  }
0xf: {  	s15 =	simm.s32 @!p0 $0x1  }
0x10: {  	_ =	swait.ge @!p0 [sflag:s15], $0x500  }
0x11: {  	[sflag:s15] =	ssyncset.done @!p0 $0x0  }
0x12: {  	[sflag:s15] =	ssyncadd.s32 @!p0 $0xFFFFFB00  }
0x13: {  	[tilespmem:s9], [sflag:$0x1] =	stream.linear.gather [hbm4b:s3+s2], $0x2800, $0x38;
	[tilespmem:$0x5280] =	vst v63  }
0x14: {  	_ =	swait.ge [sflag:s10], $0x2800  }
0x15: {  	[sflag:s10] =	ssyncset.done $0x0  }
0x16: {  	[sflag:s10] =	ssyncadd.s32 $0xFFFFD800  }
0x17: {  	[tilespmem:s11], [sflag:$0x1] =	stream.linear.gather [hbm4b:s5+s2], $0x2710, $0x38;
	[tilespmem:$0x5280] =	vst v63  }
0x18: {  	_ =	swait.ge [sflag:s10], $0x2710  }
0x19: {  	[sflag:s10] =	ssyncset.done $0x0  }
0x1a: {  	[sflag:s10] =	ssyncadd.s32 $0xFFFFD8F0  }
0x1b: {  	[tilespmem:s12], [sflag:$0x1] =	stream.linear.gather [hbm4b:s4+s2], $0x80, $0x38;
	[tilespmem:$0x5280] =	vst v63  }
0x1c: {  	_ =	swait.ge [sflag:s10], $0x80  }
0x1d: {  	[sflag:s10] =	ssyncset.done $0x0  }
0x1e: {  	[sflag:s10] =	ssyncadd.s32 $0xFFFFFF80  }
0x1f: {  	s16 =	simm.s32 $0x0;
	s15 =	simm.s32 $0x40;
	[bflag:$0x0] =	sbarrier.arrive $0xFFFF  }
.LBB2_2:
0x20: {  	p1 =	sne.s32 s15, $0x9C00;
	v1 =	vld [tilespmem:s16+$0x2A80];
	_ =	sdelay $0x3  }
.Ltmp0:
0x21: {  	(pc) =	sbr.rel @p1 .LBB2_2-.Ltmp0, $2  }
0x22: {  	_ =	sdelay $0x2  }
0x23: {  	s16 =	sshra.s32 s15, $0x2;
	s15 =	sadd.s32 $0x40, s15;
	[tilespmem:v1+s9+$0x0] =	vst.idx.add.f32.msk $0xffff, v0  }
0x24: {  	v1 =	vld [tilespmem:s16+$0x2A80];
	_ =	sdelay $0x7  }
0x25: {  	[tilespmem:v1+s9+$0x0] =	vst.idx.add.f32.msk $0xffff, v0  }
0x26: {  	[spmem:s1] =	stream.indirect.scatter.add.f32 [tilespmem:s9], [sflag:$0x1], $0x80, s12, s13, $0xb8;
	[tilespmem:$0x5280] =	vst v63  }
0x27: {  	_ =	swait.ge [sflag:s10], $0x2800  }
0x28: {  	[sflag:s10] =	ssyncset.done $0x0  }
0x29: {  	s14 =	sadd.s32 $0x1, s14;
	[sflag:s10] =	ssyncadd.s32 $0xFFFFD800  }
0x2a: {  	s15 =	simm.s32 @!p0 $0x1C01;
	p1 =	sne.s32 s14, s7;
	[bflag:$0x0] =	sbarrier.arrive $0xFFFF  }
0x2b: {  	[hbm:s6], [sflag:s15] =	dma.local @!p0 [spmem:s8], $0x500  }
.Ltmp1:
0x2c: {  	_ = 	snop;
	(pc) =	sbr.rel @p1 .LBB2_1-.Ltmp1, $4  }
0x2d: {  	s15 =	simm.s32 @!p0 $0x1  }
0x2e: {  	_ =	swait.ge @!p0 [sflag:s15], $0x500  }
0x2f: {  	[sflag:s15] =	ssyncset.done @!p0 $0x0  }
0x30: {  	[sflag:s15] =	ssyncadd.s32 @!p0 $0xFFFFFB00  }
0x31: {  	_ =	sfence.sel $0x180000  }
0x32: {  	[bflag:$0x0] =	sbarrier.arrive $0xFFFF  }
0x33: {  	_ =	strace $0x90000047  }
0x34: {  	s0 =	sadd.s32 @!p0 $0x100000, s0;
	[bflag:$0x2] =	sbarrier.arrive $0xFFFF  }
0x35: {  	[sflag:s0] =	ssyncadd.tile.s32 @!p0 $0x1;
	_ =	shalt  }
.Lfunc_end2:
_tile_overlayer_lowered:
.L_overlay_start_2:
0x36: {  	(tag) =	ssettag $0x2  }
0x37: {  	s0 =	rddreg [dreg:$0x0];
	s2 =	stileid.u32  }
0x38: {  	s1 =	rddreg [dreg:$0x1];
	p0 =	sne.s32 s2, $0x0  }
0x39: {  	s3 =	rddreg [dreg:$0x2];
	[bflag:$0x3] =	sbarrier.arrive $0xFFFF;
	s2 =	simm.s32 @!p0 $0x1C01  }
0x3a: {  	[timem:s3], [sflag:s2] =	dma.local @!p0 [hbm:s0], s1  }
0x3b: {  	s0 =	simm.s32 @!p0 $0x1  }
0x3c: {  	_ =	swait.ge @!p0 [sflag:s0], s1  }
0x3d: {  	s1 =	ssub.s32 @!p0 $0x0, s1;
	[sflag:s0] =	ssyncset.done @!p0 $0x0  }
0x3e: {  	[sflag:s0] =	ssyncadd.s32 @!p0 s1  }
0x3f: {  	[bflag:$0x3] =	sbarrier.arrive $0xFFFF  }
0x40: {  	_ =	shalt  }

</sc_bundles>
